<compile_context>
chip_gen: v7x
topology: tpu7x:2x2x1
jax: 0.10.2.dev20260603
libtpu: 0.0.44.dev20260713+nightly
codegen_flags: <defaults>
</compile_context>

<pallas_src>
import functools

import jax
import jax.numpy as jnp
from jax import lax
from jax.experimental import pallas as pl
from jax.experimental.pallas import tpu as pltpu
from jax.experimental.pallas import tpu_sc as plsc

N_NODES = 10000
N_PAD = 10240
D = 128
E = 320000
N_GRAPHS = 128
G_PAD = 144

NC = 2
NS = 16
NW = NC * NS
EW = E // NW
CH = 80
NCHUNK = EW // CH
ROWS_PER_TILE = N_PAD // NS
NODES_W = N_PAD // NW
PCH = NODES_W // CH

_sc_mesh = lambda: plsc.VectorSubcoreMesh(
    core_axis_name="c", subcore_axis_name="s", num_cores=NC, num_subcores=NS)


def _agg_body(h_hbm, src_hbm, dst_hbm, zeros_hbm,
              out0_hbm, out1_hbm,
              src_v, dst_v, rows_v, sem, agg_s):
    cid = lax.axis_index("c")
    sid = lax.axis_index("s")
    wid = cid * NS + sid
    pltpu.sync_copy(zeros_hbm, agg_s.at[pl.ds(sid * ROWS_PER_TILE, ROWS_PER_TILE)])
    pltpu.sync_copy(src_hbm.at[pl.ds(wid * EW, EW)], src_v)
    pltpu.sync_copy(dst_hbm.at[wid], dst_v)
    plsc.subcore_barrier()

    def body(c, carry):
        idx = src_v.at[pl.ds(c * CH, CH)]
        pltpu.async_copy(h_hbm.at[idx], rows_v, sem).wait()
        pltpu.sync_copy(rows_v, agg_s.at[dst_v.at[c]], add=True)
        return carry

    lax.fori_loop(0, NCHUNK, body, 0)
    plsc.subcore_barrier()

    @pl.when(cid == 0)
    def _():
        pltpu.sync_copy(agg_s.at[pl.ds(sid * ROWS_PER_TILE, ROWS_PER_TILE)],
                        out0_hbm.at[pl.ds(sid * ROWS_PER_TILE, ROWS_PER_TILE)])

    @pl.when(cid == 1)
    def _():
        pltpu.sync_copy(agg_s.at[pl.ds(sid * ROWS_PER_TILE, ROWS_PER_TILE)],
                        out1_hbm.at[pl.ds(sid * ROWS_PER_TILE, ROWS_PER_TILE)])


_agg_call = pl.kernel(
    _agg_body,
    out_type=(jax.ShapeDtypeStruct((N_PAD, D), jnp.float32),
              jax.ShapeDtypeStruct((N_PAD, D), jnp.float32)),
    mesh=_sc_mesh(),
    scratch_types=[
        pltpu.VMEM((EW,), jnp.int32),
        pltpu.VMEM((NCHUNK, CH), jnp.int32),
        pltpu.VMEM((CH, D), jnp.float32),
        pltpu.SemaphoreType.DMA,
        pltpu.VMEM_SHARED((N_PAD, D), jnp.float32),
    ],
)


def _pool_body(h_hbm, batch_hbm, zg_hbm, ones_hbm,
               p0_hbm, p1_hbm, c0_hbm, c1_hbm,
               bat_v, rows_v, ones_v, pool_s, cnt_s):
    cid = lax.axis_index("c")
    sid = lax.axis_index("s")
    wid = cid * NS + sid

    @pl.when(sid == 0)
    def _():
        pltpu.sync_copy(zg_hbm, pool_s)
        pltpu.sync_copy(zg_hbm, cnt_s)

    pltpu.sync_copy(batch_hbm.at[wid], bat_v)
    pltpu.sync_copy(ones_hbm, ones_v)
    plsc.subcore_barrier()

    def body(k, carry):
        pltpu.sync_copy(h_hbm.at[pl.ds(wid * NODES_W + k * CH, CH)], rows_v)
        pltpu.sync_copy(rows_v, pool_s.at[bat_v.at[k]], add=True)
        pltpu.sync_copy(ones_v, cnt_s.at[bat_v.at[k]], add=True)
        return carry

    lax.fori_loop(0, PCH, body, 0)
    plsc.subcore_barrier()

    @pl.when(sid == 0)
    def _():
        @pl.when(cid == 0)
        def _():
            pltpu.sync_copy(pool_s, p0_hbm)
            pltpu.sync_copy(cnt_s, c0_hbm)

        @pl.when(cid == 1)
        def _():
            pltpu.sync_copy(pool_s, p1_hbm)
            pltpu.sync_copy(cnt_s, c1_hbm)


_pool_call = pl.kernel(
    _pool_body,
    out_type=(jax.ShapeDtypeStruct((G_PAD, D), jnp.float32),
              jax.ShapeDtypeStruct((G_PAD, D), jnp.float32),
              jax.ShapeDtypeStruct((G_PAD, D), jnp.float32),
              jax.ShapeDtypeStruct((G_PAD, D), jnp.float32)),
    mesh=_sc_mesh(),
    scratch_types=[
        pltpu.VMEM((PCH, CH), jnp.int32),
        pltpu.VMEM((CH, D), jnp.float32),
        pltpu.VMEM((CH, D), jnp.float32),
        pltpu.VMEM_SHARED((G_PAD, D), jnp.float32),
        pltpu.VMEM_SHARED((G_PAD, D), jnp.float32),
    ],
)


_BLK = 1280
_NBLK = N_PAD // _BLK


def _lin_relu_tc(x_ref, w_ref, b_ref, o_ref):
    o_ref[...] = jnp.maximum(
        jnp.dot(x_ref[...], w_ref[...], preferred_element_type=jnp.float32)
        + b_ref[...], 0.0)


def _mlp_tc(x_ref, a0_ref, a1_ref, wa_ref, ba_ref, wb_ref, bb_ref, o_ref):
    t = x_ref[...] + a0_ref[...] + a1_ref[...]
    t = jnp.maximum(
        jnp.dot(t, wa_ref[...], preferred_element_type=jnp.float32)
        + ba_ref[...], 0.0)
    t = jnp.dot(t, wb_ref[...], preferred_element_type=jnp.float32) + bb_ref[...]
    o_ref[...] = jnp.maximum(t, 0.0)


def _final_tc(p0_ref, p1_ref, c0_ref, c1_ref, w_ref, b_ref, o_ref):
    sums = p0_ref[:N_GRAPHS, :] + p1_ref[:N_GRAPHS, :]
    cnts = c0_ref[:N_GRAPHS, :] + c1_ref[:N_GRAPHS, :]
    pooled = sums / jnp.maximum(cnts, 1.0)
    o_ref[...] = (jnp.dot(pooled, w_ref[...], preferred_element_type=jnp.float32)
                  + b_ref[...])


def _row_spec(shape):
    return pl.BlockSpec(shape, lambda i: (i, 0))


def _const_spec(shape):
    return pl.BlockSpec(shape, lambda i: (0, 0))


_lin_relu_call = pl.pallas_call(
    _lin_relu_tc,
    grid=(_NBLK,),
    in_specs=[_row_spec((_BLK, D)), _const_spec((D, D)), _const_spec((1, D))],
    out_specs=_row_spec((_BLK, D)),
    out_shape=jax.ShapeDtypeStruct((N_PAD, D), jnp.float32),
)

_mlp_call = pl.pallas_call(
    _mlp_tc,
    grid=(_NBLK,),
    in_specs=[_row_spec((_BLK, D)), _row_spec((_BLK, D)), _row_spec((_BLK, D)),
              _const_spec((D, D)), _const_spec((1, D)),
              _const_spec((D, D)), _const_spec((1, D))],
    out_specs=_row_spec((_BLK, D)),
    out_shape=jax.ShapeDtypeStruct((N_PAD, D), jnp.float32),
)

_final_call = pl.pallas_call(
    _final_tc,
    in_specs=[pl.BlockSpec((G_PAD, D), lambda: (0, 0))] * 4
             + [pl.BlockSpec((D, D), lambda: (0, 0)),
                pl.BlockSpec((1, D), lambda: (0, 0))],
    out_specs=pl.BlockSpec((N_GRAPHS, D), lambda: (0, 0)),
    out_shape=jax.ShapeDtypeStruct((N_GRAPHS, D), jnp.float32),
)


def kernel(x, edge_index, batch, W0, b0, W1a, b1a, W1b, b1b, W2a, b2a,
           W2b, b2b, W3a, b3a, W3b, b3b, Wout, bout):
    x_pad = jnp.pad(x, ((0, N_PAD - N_NODES), (0, 0)))
    src = edge_index[0]
    dst = edge_index[1].reshape(NW, NCHUNK, CH)
    batch_pad = jnp.pad(batch, (0, N_PAD - N_NODES),
                        constant_values=N_GRAPHS).reshape(NW, PCH, CH)
    zeros_rows = jnp.zeros((ROWS_PER_TILE, D), jnp.float32)
    zeros_g = jnp.zeros((G_PAD, D), jnp.float32)
    ones_rows = jnp.ones((CH, D), jnp.float32)
    Wout_pad = jnp.pad(Wout, ((0, 0), (0, D - Wout.shape[1])))
    bout_pad = jnp.pad(bout, (0, D - bout.shape[0])).reshape(1, D)

    h = _lin_relu_call(x_pad, W0, b0.reshape(1, D))
    for Wa, ba, Wb, bb in ((W1a, b1a, W1b, b1b),
                           (W2a, b2a, W2b, b2b),
                           (W3a, b3a, W3b, b3b)):
        a0, a1 = _agg_call(h, src, dst, zeros_rows)
        h = _mlp_call(h, a0, a1, Wa, ba.reshape(1, D), Wb, bb.reshape(1, D))

    p0, p1, c0, c1 = _pool_call(h, batch_pad, zeros_g, ones_rows)
    out = _final_call(p0, p1, c0, c1, Wout_pad, bout_pad)
    return out[:, :Wout.shape[1]]

# --- scband reference (transcript-rebuilt; emitter-appended) ---
"""Pipeline reference for scband-gin-59055800320835 (READ-ONLY COPY).

The authoritative reference and input builder live on the scoring server;
editing this copy changes nothing except your own understanding.
"""

import jax, jax.numpy as jnp
import numpy as np

N_NODES = 10000
N_EDGES = 320000
D_IN = 128
D_HID = 128
D_OUT = 10
N_GRAPHS = 128


def _lin_params(key, d_in, d_out):
    k1, k2 = jax.random.split(key)
    W = jax.random.normal(k1, (d_in, d_out), dtype=jnp.float32) * (1.0 / np.sqrt(d_in))
    b = jax.random.normal(k2, (d_out,), dtype=jnp.float32) * 0.01
    return W, b


def setup_inputs(seed: int = 0) -> dict:
    key = jax.random.key(seed)
    ks = jax.random.split(key, 16)
    x = jax.random.normal(ks[0], (N_NODES, D_IN), dtype=jnp.float32)
    edge_index = jax.random.randint(ks[1], (2, N_EDGES), 0, N_NODES, dtype=jnp.int64 if jax.config.jax_enable_x64 else jnp.int32).astype(jnp.int32)
    batch = jnp.sort(jax.random.randint(ks[2], (N_NODES,), 0, N_GRAPHS).astype(jnp.int32))
    W0, b0 = _lin_params(ks[3], D_IN, D_HID)
    W1a, b1a = _lin_params(ks[4], D_HID, D_HID)
    W1b, b1b = _lin_params(ks[5], D_HID, D_HID)
    W2a, b2a = _lin_params(ks[6], D_HID, D_HID)
    W2b, b2b = _lin_params(ks[7], D_HID, D_HID)
    W3a, b3a = _lin_params(ks[8], D_HID, D_HID)
    W3b, b3b = _lin_params(ks[9], D_HID, D_HID)
    Wout, bout = _lin_params(ks[10], D_HID, D_OUT)
    return {
        "x": x, "edge_index": edge_index, "batch": batch,
        "W0": W0, "b0": b0,
        "W1a": W1a, "b1a": b1a, "W1b": W1b, "b1b": b1b,
        "W2a": W2a, "b2a": b2a, "W2b": W2b, "b2b": b2b,
        "W3a": W3a, "b3a": b3a, "W3b": W3b, "b3b": b3b,
        "Wout": Wout, "bout": bout,
    }


def _gin_conv(x, src, dst, Wa, ba, Wb, bb):
    # GINConv with default eps=0: h = MLP((1+eps)*x + sum_{j in N(i)} x_j)
    agg = jnp.zeros_like(x).at[dst].add(x[src])
    h = x + agg
    h = jnp.maximum(h @ Wa + ba, 0.0)
    h = h @ Wb + bb
    return h


def reference(x, edge_index, batch, W0, b0, W1a, b1a, W1b, b1b, W2a, b2a, W2b, b2b, W3a, b3a, W3b, b3b, Wout, bout):
    src = edge_index[0]
    dst = edge_index[1]
    h = jnp.maximum(x @ W0 + b0, 0.0)
    h = jnp.maximum(_gin_conv(h, src, dst, W1a, b1a, W1b, b1b), 0.0)
    h = jnp.maximum(_gin_conv(h, src, dst, W2a, b2a, W2b, b2b), 0.0)
    h = jnp.maximum(_gin_conv(h, src, dst, W3a, b3a, W3b, b3b), 0.0)
    # global_mean_pool over graphs
    sums = jax.ops.segment_sum(h, batch, num_segments=N_GRAPHS)
    counts = jax.ops.segment_sum(jnp.ones((h.shape[0],), dtype=h.dtype), batch, num_segments=N_GRAPHS)
    pooled = sums / jnp.maximum(counts, 1.0)[:, None]
    # dropout is identity in eval mode
    out = pooled @ Wout + bout
    return out

if __name__ == "__main__":
    import jax
    _d = setup_inputs()
    print(jax.jit(kernel)(*tuple(_d.values())))

</pallas_src>

<mosaic_0001>
#map = affine_map<(d0, d1) -> (0, 0)>
#map1 = affine_map<(d0, d1) -> (0)>
#map2 = affine_map<(d0, d1) -> (0, 0, 0)>
module attributes {stable_mosaic.version = 14 : i64} {
  func.func @_agg_body(%arg0: i32, %arg1: i32, %arg2: memref<10240x128xf32, #tpu.memory_space<hbm>>, %arg3: memref<320000xi32, #tpu.memory_space<hbm>>, %arg4: memref<32x125x80xi32, #tpu.memory_space<hbm>>, %arg5: memref<640x128xf32, #tpu.memory_space<hbm>>, %arg6: memref<10240x128xf32, #tpu.memory_space<hbm>>, %arg7: memref<10240x128xf32, #tpu.memory_space<hbm>>, %arg8: memref<10000xi32, #tpu.memory_space<vmem>>, %arg9: memref<125x80xi32, #tpu.memory_space<vmem>>, %arg10: memref<80x128xf32, #tpu.memory_space<vmem>>, %arg11: memref<!tpu.dma_semaphore, #tpu.memory_space<semaphore_mem>>, %arg12: memref<10240x128xf32, #tpu.memory_space<vmem_shared>>) attributes {dimension_semantics = [#tpu.dimension_semantics<core_parallel>, #tpu.dimension_semantics<subcore_parallel>], iteration_bounds = array<i64: 2, 16>, scalar_prefetch = 0 : i64, scratch_operands = 5 : i64, tpu.core_type = #tpu.core_type<sc_vector_subcore>, window_params = [{transform_indices = #map}, {transform_indices = #map1}, {transform_indices = #map2}, {transform_indices = #map}, {transform_indices = #map}, {transform_indices = #map}]} {
    %mul3A = arith.constant 16 : i32
    %mul3A_0 = arith.muli %arg0, %mul3A : i32
    %add3A = arith.addi %mul3A_0, %arg1 : i32
    %mul3A_1 = arith.constant 640 : i32
    %mul3A_2 = arith.muli %arg1, %mul3A_1 : i32
    "tpu.region"() ({
      %run_scoped3A = tpu.sem_alloc : memref<!tpu.dma_semaphore, #tpu.memory_space<semaphore_mem>>
      %dma_start3A = arith.constant 0 : i32
      %dma_start3A_18 = tpu.memref_slice %arg12[%mul3A_2, %dma_start3A] : memref<10240x128xf32, #tpu.memory_space<vmem_shared>> -> memref<640x128xf32, #tpu.memory_space<vmem_shared>>
      tpu.enqueue_dma source(%arg5 : memref<640x128xf32, #tpu.memory_space<hbm>>) target(%dma_start3A_18 : memref<640x128xf32, #tpu.memory_space<vmem_shared>>) target_semaphore(%run_scoped3A : memref<!tpu.dma_semaphore, #tpu.memory_space<semaphore_mem>>)
      %dma_wait3A = arith.constant 0 : i32
      %dma_wait3A_19 = tpu.memref_slice %arg12[%mul3A_2, %dma_wait3A] : memref<10240x128xf32, #tpu.memory_space<vmem_shared>> -> memref<640x128xf32, #tpu.memory_space<vmem_shared>>
      tpu.wait_dma2 semaphore(%run_scoped3A : memref<!tpu.dma_semaphore, #tpu.memory_space<semaphore_mem>>) src(%arg5 : memref<640x128xf32, #tpu.memory_space<hbm>>) dst(%dma_wait3A_19 : memref<640x128xf32, #tpu.memory_space<vmem_shared>>)
      tpu.yield
    }) : () -> ()
    %mul3A_3 = arith.constant 10000 : i32
    %mul3A_4 = arith.muli %add3A, %mul3A_3 : i32
    "tpu.region"() ({
      %run_scoped3A = tpu.sem_alloc : memref<!tpu.dma_semaphore, #tpu.memory_space<semaphore_mem>>
      %dma_start3A = tpu.memref_slice %arg3[%mul3A_4] : memref<320000xi32, #tpu.memory_space<hbm>> -> memref<10000xi32, #tpu.memory_space<hbm>>
      %dma_start3A_18 = tpu.memref_slice %arg3[%mul3A_4] : memref<320000xi32, #tpu.memory_space<hbm>> -> memref<10000xi32, #tpu.memory_space<hbm>>
      tpu.enqueue_dma source(%dma_start3A_18 : memref<10000xi32, #tpu.memory_space<hbm>>) target(%arg8 : memref<10000xi32, #tpu.memory_space<vmem>>) target_semaphore(%run_scoped3A : memref<!tpu.dma_semaphore, #tpu.memory_space<semaphore_mem>>)
      %dma_wait3A = tpu.memref_slice %arg3[%mul3A_4] : memref<320000xi32, #tpu.memory_space<hbm>> -> memref<10000xi32, #tpu.memory_space<hbm>>
      %dma_wait3A_19 = tpu.memref_slice %arg3[%mul3A_4] : memref<320000xi32, #tpu.memory_space<hbm>> -> memref<10000xi32, #tpu.memory_space<hbm>>
      tpu.wait_dma2 semaphore(%run_scoped3A : memref<!tpu.dma_semaphore, #tpu.memory_space<semaphore_mem>>) src(%dma_wait3A_19 : memref<10000xi32, #tpu.memory_space<hbm>>) dst(%arg8 : memref<10000xi32, #tpu.memory_space<vmem>>)
      tpu.yield
    }) : () -> ()
    "tpu.region"() ({
      %run_scoped3A = tpu.sem_alloc : memref<!tpu.dma_semaphore, #tpu.memory_space<semaphore_mem>>
      %dma_start3A = arith.constant 0 : i32
      %dma_start3A_18 = arith.constant 0 : i32
      %dma_start3A_19 = tpu.memref_slice %arg4[%add3A, %dma_start3A, %dma_start3A_18] : memref<32x125x80xi32, #tpu.memory_space<hbm>> -> memref<1x125x80xi32, #tpu.memory_space<hbm>>
      %dma_start3A_20 = tpu.memref_squeeze %dma_start3A_19 : memref<1x125x80xi32, #tpu.memory_space<hbm>> -> memref<125x80xi32, #tpu.memory_space<hbm>>
      %dma_start3A_21 = arith.constant 0 : i32
      %dma_start3A_22 = arith.constant 0 : i32
      %dma_start3A_23 = tpu.memref_slice %arg4[%add3A, %dma_start3A_21, %dma_start3A_22] : memref<32x125x80xi32, #tpu.memory_space<hbm>> -> memref<1x125x80xi32, #tpu.memory_space<hbm>>
      %dma_start3A_24 = tpu.memref_squeeze %dma_start3A_23 : memref<1x125x80xi32, #tpu.memory_space<hbm>> -> memref<125x80xi32, #tpu.memory_space<hbm>>
      tpu.enqueue_dma source(%dma_start3A_24 : memref<125x80xi32, #tpu.memory_space<hbm>>) target(%arg9 : memref<125x80xi32, #tpu.memory_space<vmem>>) target_semaphore(%run_scoped3A : memref<!tpu.dma_semaphore, #tpu.memory_space<semaphore_mem>>)
      %dma_wait3A = arith.constant 0 : i32
      %dma_wait3A_25 = arith.constant 0 : i32
      %dma_wait3A_26 = tpu.memref_slice %arg4[%add3A, %dma_wait3A, %dma_wait3A_25] : memref<32x125x80xi32, #tpu.memory_space<hbm>> -> memref<1x125x80xi32, #tpu.memory_space<hbm>>
      %dma_wait3A_27 = tpu.memref_squeeze %dma_wait3A_26 : memref<1x125x80xi32, #tpu.memory_space<hbm>> -> memref<125x80xi32, #tpu.memory_space<hbm>>
      %dma_wait3A_28 = arith.constant 0 : i32
      %dma_wait3A_29 = arith.constant 0 : i32
      %dma_wait3A_30 = tpu.memref_slice %arg4[%add3A, %dma_wait3A_28, %dma_wait3A_29] : memref<32x125x80xi32, #tpu.memory_space<hbm>> -> memref<1x125x80xi32, #tpu.memory_space<hbm>>
      %dma_wait3A_31 = tpu.memref_squeeze %dma_wait3A_30 : memref<1x125x80xi32, #tpu.memory_space<hbm>> -> memref<125x80xi32, #tpu.memory_space<hbm>>
      tpu.wait_dma2 semaphore(%run_scoped3A : memref<!tpu.dma_semaphore, #tpu.memory_space<semaphore_mem>>) src(%dma_wait3A_31 : memref<125x80xi32, #tpu.memory_space<hbm>>) dst(%arg9 : memref<125x80xi32, #tpu.memory_space<vmem>>)
      tpu.yield
    }) : () -> ()
    %barrier3A = arith.constant 0 : index
    tpu.barrier barrier_id(%barrier3A)
    %scan3A = arith.constant 0 : i32
    %scan3A_5 = arith.constant 0 : i32
    %scan3A_6 = arith.constant 125 : i32
    %scan3A_7 = arith.addi %scan3A_5, %scan3A_6 : i32
    %scan3A_8 = arith.constant 1 : i32
    scf.for %scan3A_18 = %scan3A_5 to %scan3A_7 step %scan3A_8  : i32 {
      %mul3A_19 = arith.constant 80 : i32
      %mul3A_20 = arith.muli %scan3A_18, %mul3A_19 : i32
      %dma_start3A = tpu.memref_slice %arg8[%mul3A_20] : memref<10000xi32, #tpu.memory_space<vmem>> -> memref<80xi32, #tpu.memory_space<vmem>>
      %dma_start3A_21 = arith.constant 0 : i32
      %dma_start3A_22 = arith.constant 0 : i32
      %dma_start3A_23 = tpu.memref_slice %arg2[%dma_start3A_21, %dma_start3A_22] : memref<10240x128xf32, #tpu.memory_space<hbm>> -> memref<10240x128xf32, #tpu.memory_space<hbm>>
      tpu.enqueue_indirect_dma source(%dma_start3A_23 : memref<10240x128xf32, #tpu.memory_space<hbm>>) target(%arg10 : memref<80x128xf32, #tpu.memory_space<vmem>>) offsets(%dma_start3A : memref<80xi32, #tpu.memory_space<vmem>>) semaphore(%arg11 : memref<!tpu.dma_semaphore, #tpu.memory_space<semaphore_mem>>)
      %dma_wait3A = tpu.memref_slice %arg8[%mul3A_20] : memref<10000xi32, #tpu.memory_space<vmem>> -> memref<80xi32, #tpu.memory_space<vmem>>
      %dma_wait3A_24 = arith.constant 0 : i32
      %dma_wait3A_25 = arith.constant 0 : i32
      %dma_wait3A_26 = tpu.memref_slice %arg2[%dma_wait3A_24, %dma_wait3A_25] : memref<10240x128xf32, #tpu.memory_space<hbm>> -> memref<10240x128xf32, #tpu.memory_space<hbm>>
      tpu.wait_indirect_dma semaphore(%arg11 : memref<!tpu.dma_semaphore, #tpu.memory_space<semaphore_mem>>) src(%dma_wait3A_26 : memref<10240x128xf32, #tpu.memory_space<hbm>>) dst(%arg10 : memref<80x128xf32, #tpu.memory_space<vmem>>)
      "tpu.region"() ({
        %run_scoped3A = tpu.sem_alloc : memref<!tpu.dma_semaphore, #tpu.memory_space<semaphore_mem>>
        %dma_start3A_27 = arith.constant 0 : i32
        %dma_start3A_28 = tpu.memref_slice %arg9[%scan3A_18, %dma_start3A_27] : memref<125x80xi32, #tpu.memory_space<vmem>> -> memref<1x80xi32, #tpu.memory_space<vmem>>
        %dma_start3A_29 = tpu.memref_squeeze %dma_start3A_28 : memref<1x80xi32, #tpu.memory_space<vmem>> -> memref<80xi32, #tpu.memory_space<vmem>>
        %dma_start3A_30 = arith.constant 0 : i32
        %dma_start3A_31 = arith.constant 0 : i32
        %dma_start3A_32 = tpu.memref_slice %arg12[%dma_start3A_30, %dma_start3A_31] : memref<10240x128xf32, #tpu.memory_space<vmem_shared>> -> memref<10240x128xf32, #tpu.memory_space<vmem_shared>>
        tpu.enqueue_indirect_dma source(%arg10 : memref<80x128xf32, #tpu.memory_space<vmem>>) target(%dma_start3A_32 : memref<10240x128xf32, #tpu.memory_space<vmem_shared>>) offsets(%dma_start3A_29 : memref<80xi32, #tpu.memory_space<vmem>>) semaphore(%run_scoped3A : memref<!tpu.dma_semaphore, #tpu.memory_space<semaphore_mem>>) {add = true}
        %dma_wait3A_33 = arith.constant 0 : i32
        %dma_wait3A_34 = tpu.memref_slice %arg9[%scan3A_18, %dma_wait3A_33] : memref<125x80xi32, #tpu.memory_space<vmem>> -> memref<1x80xi32, #tpu.memory_space<vmem>>
        %dma_wait3A_35 = tpu.memref_squeeze %dma_wait3A_34 : memref<1x80xi32, #tpu.memory_space<vmem>> -> memref<80xi32, #tpu.memory_space<vmem>>
        %dma_wait3A_36 = arith.constant 0 : i32
        %dma_wait3A_37 = arith.constant 0 : i32
        %dma_wait3A_38 = tpu.memref_slice %arg12[%dma_wait3A_36, %dma_wait3A_37] : memref<10240x128xf32, #tpu.memory_space<vmem_shared>> -> memref<10240x128xf32, #tpu.memory_space<vmem_shared>>
        tpu.wait_indirect_dma semaphore(%run_scoped3A : memref<!tpu.dma_semaphore, #tpu.memory_space<semaphore_mem>>) src(%arg10 : memref<80x128xf32, #tpu.memory_space<vmem>>) dst(%dma_wait3A_38 : memref<10240x128xf32, #tpu.memory_space<vmem_shared>>)
        tpu.yield
      }) : () -> ()
    }
    %scan3A_9 = arith.constant 125 : i32
    %barrier3A_10 = arith.constant 0 : index
    tpu.barrier barrier_id(%barrier3A_10)
    %eq3A = arith.constant 0 : i32
    %eq3A_11 = arith.cmpi eq, %arg0, %eq3A : i32
    %convert_element_type3A = arith.extui %eq3A_11 : i1 to i32
    %cond3A = arith.constant 0 : i32
    %cond3A_12 = arith.cmpi ne, %convert_element_type3A, %cond3A : i32
    scf.if %cond3A_12 {
      %mul3A_18 = arith.constant 640 : i32
      %mul3A_19 = arith.muli %arg1, %mul3A_18 : i32
      %mul3A_20 = arith.constant 640 : i32
      %mul3A_21 = arith.muli %arg1, %mul3A_20 : i32
      "tpu.region"() ({
        %run_scoped3A = tpu.sem_alloc : memref<!tpu.dma_semaphore, #tpu.memory_space<semaphore_mem>>
        %dma_start3A = arith.constant 0 : i32
        %dma_start3A_22 = tpu.memref_slice %arg6[%mul3A_21, %dma_start3A] : memref<10240x128xf32, #tpu.memory_space<hbm>> -> memref<640x128xf32, #tpu.memory_space<hbm>>
        %dma_start3A_23 = arith.constant 0 : i32
        %dma_start3A_24 = tpu.memref_slice %arg12[%mul3A_19, %dma_start3A_23] : memref<10240x128xf32, #tpu.memory_space<vmem_shared>> -> memref<640x128xf32, #tpu.memory_space<vmem_shared>>
        tpu.enqueue_dma source(%dma_start3A_24 : memref<640x128xf32, #tpu.memory_space<vmem_shared>>) target(%dma_start3A_22 : memref<640x128xf32, #tpu.memory_space<hbm>>) target_semaphore(%run_scoped3A : memref<!tpu.dma_semaphore, #tpu.memory_space<semaphore_mem>>)
        %dma_wait3A = arith.constant 0 : i32
        %dma_wait3A_25 = tpu.memref_slice %arg6[%mul3A_21, %dma_wait3A] : memref<10240x128xf32, #tpu.memory_space<hbm>> -> memref<640x128xf32, #tpu.memory_space<hbm>>
        %dma_wait3A_26 = arith.constant 0 : i32
        %dma_wait3A_27 = tpu.memref_slice %arg12[%mul3A_19, %dma_wait3A_26] : memref<10240x128xf32, #tpu.memory_space<vmem_shared>> -> memref<640x128xf32, #tpu.memory_space<vmem_shared>>
        tpu.wait_dma2 semaphore(%run_scoped3A : memref<!tpu.dma_semaphore, #tpu.memory_space<semaphore_mem>>) src(%dma_wait3A_27 : memref<640x128xf32, #tpu.memory_space<vmem_shared>>) dst(%dma_wait3A_25 : memref<640x128xf32, #tpu.memory_space<hbm>>)
        tpu.yield
      }) : () -> ()
    } else {
    }
    %eq3A_13 = arith.constant 1 : i32
    %eq3A_14 = arith.cmpi eq, %arg0, %eq3A_13 : i32
    %convert_element_type3A_15 = arith.extui %eq3A_14 : i1 to i32
    %cond3A_16 = arith.constant 0 : i32
    %cond3A_17 = arith.cmpi ne, %convert_element_type3A_15, %cond3A_16 : i32
    scf.if %cond3A_17 {
      %mul3A_18 = arith.constant 640 : i32
      %mul3A_19 = arith.muli %arg1, %mul3A_18 : i32
      %mul3A_20 = arith.constant 640 : i32
      %mul3A_21 = arith.muli %arg1, %mul3A_20 : i32
      "tpu.region"() ({
        %run_scoped3A = tpu.sem_alloc : memref<!tpu.dma_semaphore, #tpu.memory_space<semaphore_mem>>
        %dma_start3A = arith.constant 0 : i32
        %dma_start3A_22 = tpu.memref_slice %arg7[%mul3A_21, %dma_start3A] : memref<10240x128xf32, #tpu.memory_space<hbm>> -> memref<640x128xf32, #tpu.memory_space<hbm>>
        %dma_start3A_23 = arith.constant 0 : i32
        %dma_start3A_24 = tpu.memref_slice %arg12[%mul3A_19, %dma_start3A_23] : memref<10240x128xf32, #tpu.memory_space<vmem_shared>> -> memref<640x128xf32, #tpu.memory_space<vmem_shared>>
        tpu.enqueue_dma source(%dma_start3A_24 : memref<640x128xf32, #tpu.memory_space<vmem_shared>>) target(%dma_start3A_22 : memref<640x128xf32, #tpu.memory_space<hbm>>) target_semaphore(%run_scoped3A : memref<!tpu.dma_semaphore, #tpu.memory_space<semaphore_mem>>)
        %dma_wait3A = arith.constant 0 : i32
        %dma_wait3A_25 = tpu.memref_slice %arg7[%mul3A_21, %dma_wait3A] : memref<10240x128xf32, #tpu.memory_space<hbm>> -> memref<640x128xf32, #tpu.memory_space<hbm>>
        %dma_wait3A_26 = arith.constant 0 : i32
        %dma_wait3A_27 = tpu.memref_slice %arg12[%mul3A_19, %dma_wait3A_26] : memref<10240x128xf32, #tpu.memory_space<vmem_shared>> -> memref<640x128xf32, #tpu.memory_space<vmem_shared>>
        tpu.wait_dma2 semaphore(%run_scoped3A : memref<!tpu.dma_semaphore, #tpu.memory_space<semaphore_mem>>) src(%dma_wait3A_27 : memref<640x128xf32, #tpu.memory_space<vmem_shared>>) dst(%dma_wait3A_25 : memref<640x128xf32, #tpu.memory_space<hbm>>)
        tpu.yield
      }) : () -> ()
    } else {
    }
    return
  }
}

#map = affine_map<(d0, d1) -> (0, 0)>
#map1 = affine_map<(d0, d1) -> (0)>
#map2 = affine_map<(d0, d1) -> (0, 0, 0)>
module attributes {stable_mosaic.version = 14 : i64} {
  func.func @_agg_body(%arg0: i32, %arg1: i32, %arg2: memref<10240x128xf32, #tpu.memory_space<hbm>>, %arg3: memref<320000xi32, #tpu.memory_space<hbm>>, %arg4: memref<32x125x80xi32, #tpu.memory_space<hbm>>, %arg5: memref<640x128xf32, #tpu.memory_space<hbm>>, %arg6: memref<10240x128xf32, #tpu.memory_space<hbm>>, %arg7: memref<10240x128xf32, #tpu.memory_space<hbm>>, %arg8: memref<10000xi32, #tpu.memory_space<vmem>>, %arg9: memref<125x80xi32, #tpu.memory_space<vmem>>, %arg10: memref<80x128xf32, #tpu.memory_space<vmem>>, %arg11: memref<!tpu.dma_semaphore, #tpu.memory_space<semaphore_mem>>, %arg12: memref<10240x128xf32, #tpu.memory_space<vmem_shared>>) attributes {dimension_semantics = [#tpu.dimension_semantics<core_parallel>, #tpu.dimension_semantics<subcore_parallel>], iteration_bounds = array<i64: 2, 16>, scalar_prefetch = 0 : i64, scratch_operands = 5 : i64, tpu.core_type = #tpu.core_type<sc_vector_subcore>, window_params = [{transform_indices = #map}, {transform_indices = #map1}, {transform_indices = #map2}, {transform_indices = #map}, {transform_indices = #map}, {transform_indices = #map}]} {
    %mul3A = arith.constant 16 : i32
    %mul3A_0 = arith.muli %arg0, %mul3A : i32
    %add3A = arith.addi %mul3A_0, %arg1 : i32
    %mul3A_1 = arith.constant 640 : i32
    %mul3A_2 = arith.muli %arg1, %mul3A_1 : i32
    "tpu.region"() ({
      %run_scoped3A = tpu.sem_alloc : memref<!tpu.dma_semaphore, #tpu.memory_space<semaphore_mem>>
      %dma_start3A = arith.constant 0 : i32
      %dma_start3A_18 = tpu.memref_slice %arg12[%mul3A_2, %dma_start3A] : memref<10240x128xf32, #tpu.memory_space<vmem_shared>> -> memref<640x128xf32, #tpu.memory_space<vmem_shared>>
      tpu.enqueue_dma source(%arg5 : memref<640x128xf32, #tpu.memory_space<hbm>>) target(%dma_start3A_18 : memref<640x128xf32, #tpu.memory_space<vmem_shared>>) target_semaphore(%run_scoped3A : memref<!tpu.dma_semaphore, #tpu.memory_space<semaphore_mem>>)
      %dma_wait3A = arith.constant 0 : i32
      %dma_wait3A_19 = tpu.memref_slice %arg12[%mul3A_2, %dma_wait3A] : memref<10240x128xf32, #tpu.memory_space<vmem_shared>> -> memref<640x128xf32, #tpu.memory_space<vmem_shared>>
      tpu.wait_dma2 semaphore(%run_scoped3A : memref<!tpu.dma_semaphore, #tpu.memory_space<semaphore_mem>>) src(%arg5 : memref<640x128xf32, #tpu.memory_space<hbm>>) dst(%dma_wait3A_19 : memref<640x128xf32, #tpu.memory_space<vmem_shared>>)
      tpu.yield
    }) : () -> ()
    %mul3A_3 = arith.constant 10000 : i32
    %mul3A_4 = arith.muli %add3A, %mul3A_3 : i32
    "tpu.region"() ({
      %run_scoped3A = tpu.sem_alloc : memref<!tpu.dma_semaphore, #tpu.memory_space<semaphore_mem>>
      %dma_start3A = tpu.memref_slice %arg3[%mul3A_4] : memref<320000xi32, #tpu.memory_space<hbm>> -> memref<10000xi32, #tpu.memory_space<hbm>>
      %dma_start3A_18 = tpu.memref_slice %arg3[%mul3A_4] : memref<320000xi32, #tpu.memory_space<hbm>> -> memref<10000xi32, #tpu.memory_space<hbm>>
      tpu.enqueue_dma source(%dma_start3A_18 : memref<10000xi32, #tpu.memory_space<hbm>>) target(%arg8 : memref<10000xi32, #tpu.memory_space<vmem>>) target_semaphore(%run_scoped3A : memref<!tpu.dma_semaphore, #tpu.memory_space<semaphore_mem>>)
      %dma_wait3A = tpu.memref_slice %arg3[%mul3A_4] : memref<320000xi32, #tpu.memory_space<hbm>> -> memref<10000xi32, #tpu.memory_space<hbm>>
      %dma_wait3A_19 = tpu.memref_slice %arg3[%mul3A_4] : memref<320000xi32, #tpu.memory_space<hbm>> -> memref<10000xi32, #tpu.memory_space<hbm>>
      tpu.wait_dma2 semaphore(%run_scoped3A : memref<!tpu.dma_semaphore, #tpu.memory_space<semaphore_mem>>) src(%dma_wait3A_19 : memref<10000xi32, #tpu.memory_space<hbm>>) dst(%arg8 : memref<10000xi32, #tpu.memory_space<vmem>>)
      tpu.yield
    }) : () -> ()
    "tpu.region"() ({
      %run_scoped3A = tpu.sem_alloc : memref<!tpu.dma_semaphore, #tpu.memory_space<semaphore_mem>>
      %dma_start3A = arith.constant 0 : i32
      %dma_start3A_18 = arith.constant 0 : i32
      %dma_start3A_19 = tpu.memref_slice %arg4[%add3A, %dma_start3A, %dma_start3A_18] : memref<32x125x80xi32, #tpu.memory_space<hbm>> -> memref<1x125x80xi32, #tpu.memory_space<hbm>>
      %dma_start3A_20 = tpu.memref_squeeze %dma_start3A_19 : memref<1x125x80xi32, #tpu.memory_space<hbm>> -> memref<125x80xi32, #tpu.memory_space<hbm>>
      %dma_start3A_21 = arith.constant 0 : i32
      %dma_start3A_22 = arith.constant 0 : i32
      %dma_start3A_23 = tpu.memref_slice %arg4[%add3A, %dma_start3A_21, %dma_start3A_22] : memref<32x125x80xi32, #tpu.memory_space<hbm>> -> memref<1x125x80xi32, #tpu.memory_space<hbm>>
      %dma_start3A_24 = tpu.memref_squeeze %dma_start3A_23 : memref<1x125x80xi32, #tpu.memory_space<hbm>> -> memref<125x80xi32, #tpu.memory_space<hbm>>
      tpu.enqueue_dma source(%dma_start3A_24 : memref<125x80xi32, #tpu.memory_space<hbm>>) target(%arg9 : memref<125x80xi32, #tpu.memory_space<vmem>>) target_semaphore(%run_scoped3A : memref<!tpu.dma_semaphore, #tpu.memory_space<semaphore_mem>>)
      %dma_wait3A = arith.constant 0 : i32
      %dma_wait3A_25 = arith.constant 0 : i32
      %dma_wait3A_26 = tpu.memref_slice %arg4[%add3A, %dma_wait3A, %dma_wait3A_25] : memref<32x125x80xi32, #tpu.memory_space<hbm>> -> memref<1x125x80xi32, #tpu.memory_space<hbm>>
      %dma_wait3A_27 = tpu.memref_squeeze %dma_wait3A_26 : memref<1x125x80xi32, #tpu.memory_space<hbm>> -> memref<125x80xi32, #tpu.memory_space<hbm>>
      %dma_wait3A_28 = arith.constant 0 : i32
      %dma_wait3A_29 = arith.constant 0 : i32
      %dma_wait3A_30 = tpu.memref_slice %arg4[%add3A, %dma_wait3A_28, %dma_wait3A_29] : memref<32x125x80xi32, #tpu.memory_space<hbm>> -> memref<1x125x80xi32, #tpu.memory_space<hbm>>
      %dma_wait3A_31 = tpu.memref_squeeze %dma_wait3A_30 : memref<1x125x80xi32, #tpu.memory_space<hbm>> -> memref<125x80xi32, #tpu.memory_space<hbm>>
      tpu.wait_dma2 semaphore(%run_scoped3A : memref<!tpu.dma_semaphore, #tpu.memory_space<semaphore_mem>>) src(%dma_wait3A_31 : memref<125x80xi32, #tpu.memory_space<hbm>>) dst(%arg9 : memref<125x80xi32, #tpu.memory_space<vmem>>)
      tpu.yield
    }) : () -> ()
    %barrier3A = arith.constant 0 : index
    tpu.barrier barrier_id(%barrier3A)
    %scan3A = arith.constant 0 : i32
    %scan3A_5 = arith.constant 0 : i32
    %scan3A_6 = arith.constant 125 : i32
    %scan3A_7 = arith.addi %scan3A_5, %scan3A_6 : i32
    %scan3A_8 = arith.constant 1 : i32
    scf.for %scan3A_18 = %scan3A_5 to %scan3A_7 step %scan3A_8  : i32 {
      %mul3A_19 = arith.constant 80 : i32
      %mul3A_20 = arith.muli %scan3A_18, %mul3A_19 : i32
      %dma_start3A = tpu.memref_slice %arg8[%mul3A_20] : memref<10000xi32, #tpu.memory_space<vmem>> -> memref<80xi32, #tpu.memory_space<vmem>>
      %dma_start3A_21 = arith.constant 0 : i32
      %dma_start3A_22 = arith.constant 0 : i32
      %dma_start3A_23 = tpu.memref_slice %arg2[%dma_start3A_21, %dma_start3A_22] : memref<10240x128xf32, #tpu.memory_space<hbm>> -> memref<10240x128xf32, #tpu.memory_space<hbm>>
      tpu.enqueue_indirect_dma source(%dma_start3A_23 : memref<10240x128xf32, #tpu.memory_space<hbm>>) target(%arg10 : memref<80x128xf32, #tpu.memory_space<vmem>>) offsets(%dma_start3A : memref<80xi32, #tpu.memory_space<vmem>>) semaphore(%arg11 : memref<!tpu.dma_semaphore, #tpu.memory_space<semaphore_mem>>)
      %dma_wait3A = tpu.memref_slice %arg8[%mul3A_20] : memref<10000xi32, #tpu.memory_space<vmem>> -> memref<80xi32, #tpu.memory_space<vmem>>
      %dma_wait3A_24 = arith.constant 0 : i32
      %dma_wait3A_25 = arith.constant 0 : i32
      %dma_wait3A_26 = tpu.memref_slice %arg2[%dma_wait3A_24, %dma_wait3A_25] : memref<10240x128xf32, #tpu.memory_space<hbm>> -> memref<10240x128xf32, #tpu.memory_space<hbm>>
      tpu.wait_indirect_dma semaphore(%arg11 : memref<!tpu.dma_semaphore, #tpu.memory_space<semaphore_mem>>) src(%dma_wait3A_26 : memref<10240x128xf32, #tpu.memory_space<hbm>>) dst(%arg10 : memref<80x128xf32, #tpu.memory_space<vmem>>)
      "tpu.region"() ({
        %run_scoped3A = tpu.sem_alloc : memref<!tpu.dma_semaphore, #tpu.memory_space<semaphore_mem>>
        %dma_start3A_27 = arith.constant 0 : i32
        %dma_start3A_28 = tpu.memref_slice %arg9[%scan3A_18, %dma_start3A_27] : memref<125x80xi32, #tpu.memory_space<vmem>> -> memref<1x80xi32, #tpu.memory_space<vmem>>
        %dma_start3A_29 = tpu.memref_squeeze %dma_start3A_28 : memref<1x80xi32, #tpu.memory_space<vmem>> -> memref<80xi32, #tpu.memory_space<vmem>>
        %dma_start3A_30 = arith.constant 0 : i32
        %dma_start3A_31 = arith.constant 0 : i32
        %dma_start3A_32 = tpu.memref_slice %arg12[%dma_start3A_30, %dma_start3A_31] : memref<10240x128xf32, #tpu.memory_space<vmem_shared>> -> memref<10240x128xf32, #tpu.memory_space<vmem_shared>>
        tpu.enqueue_indirect_dma source(%arg10 : memref<80x128xf32, #tpu.memory_space<vmem>>) target(%dma_start3A_32 : memref<10240x128xf32, #tpu.memory_space<vmem_shared>>) offsets(%dma_start3A_29 : memref<80xi32, #tpu.memory_space<vmem>>) semaphore(%run_scoped3A : memref<!tpu.dma_semaphore, #tpu.memory_space<semaphore_mem>>) {add = true}
        %dma_wait3A_33 = arith.constant 0 : i32
        %dma_wait3A_34 = tpu.memref_slice %arg9[%scan3A_18, %dma_wait3A_33] : memref<125x80xi32, #tpu.memory_space<vmem>> -> memref<1x80xi32, #tpu.memory_space<vmem>>
        %dma_wait3A_35 = tpu.memref_squeeze %dma_wait3A_34 : memref<1x80xi32, #tpu.memory_space<vmem>> -> memref<80xi32, #tpu.memory_space<vmem>>
        %dma_wait3A_36 = arith.constant 0 : i32
        %dma_wait3A_37 = arith.constant 0 : i32
        %dma_wait3A_38 = tpu.memref_slice %arg12[%dma_wait3A_36, %dma_wait3A_37] : memref<10240x128xf32, #tpu.memory_space<vmem_shared>> -> memref<10240x128xf32, #tpu.memory_space<vmem_shared>>
        tpu.wait_indirect_dma semaphore(%run_scoped3A : memref<!tpu.dma_semaphore, #tpu.memory_space<semaphore_mem>>) src(%arg10 : memref<80x128xf32, #tpu.memory_space<vmem>>) dst(%dma_wait3A_38 : memref<10240x128xf32, #tpu.memory_space<vmem_shared>>)
        tpu.yield
      }) : () -> ()
    }
    %scan3A_9 = arith.constant 125 : i32
    %barrier3A_10 = arith.constant 0 : index
    tpu.barrier barrier_id(%barrier3A_10)
    %eq3A = arith.constant 0 : i32
    %eq3A_11 = arith.cmpi eq, %arg0, %eq3A : i32
    %convert_element_type3A = arith.extui %eq3A_11 : i1 to i32
    %cond3A = arith.constant 0 : i32
    %cond3A_12 = arith.cmpi ne, %convert_element_type3A, %cond3A : i32
    scf.if %cond3A_12 {
      %mul3A_18 = arith.constant 640 : i32
      %mul3A_19 = arith.muli %arg1, %mul3A_18 : i32
      %mul3A_20 = arith.constant 640 : i32
      %mul3A_21 = arith.muli %arg1, %mul3A_20 : i32
      "tpu.region"() ({
        %run_scoped3A = tpu.sem_alloc : memref<!tpu.dma_semaphore, #tpu.memory_space<semaphore_mem>>
        %dma_start3A = arith.constant 0 : i32
        %dma_start3A_22 = tpu.memref_slice %arg6[%mul3A_21, %dma_start3A] : memref<10240x128xf32, #tpu.memory_space<hbm>> -> memref<640x128xf32, #tpu.memory_space<hbm>>
        %dma_start3A_23 = arith.constant 0 : i32
        %dma_start3A_24 = tpu.memref_slice %arg12[%mul3A_19, %dma_start3A_23] : memref<10240x128xf32, #tpu.memory_space<vmem_shared>> -> memref<640x128xf32, #tpu.memory_space<vmem_shared>>
        tpu.enqueue_dma source(%dma_start3A_24 : memref<640x128xf32, #tpu.memory_space<vmem_shared>>) target(%dma_start3A_22 : memref<640x128xf32, #tpu.memory_space<hbm>>) target_semaphore(%run_scoped3A : memref<!tpu.dma_semaphore, #tpu.memory_space<semaphore_mem>>)
        %dma_wait3A = arith.constant 0 : i32
        %dma_wait3A_25 = tpu.memref_slice %arg6[%mul3A_21, %dma_wait3A] : memref<10240x128xf32, #tpu.memory_space<hbm>> -> memref<640x128xf32, #tpu.memory_space<hbm>>
        %dma_wait3A_26 = arith.constant 0 : i32
        %dma_wait3A_27 = tpu.memref_slice %arg12[%mul3A_19, %dma_wait3A_26] : memref<10240x128xf32, #tpu.memory_space<vmem_shared>> -> memref<640x128xf32, #tpu.memory_space<vmem_shared>>
        tpu.wait_dma2 semaphore(%run_scoped3A : memref<!tpu.dma_semaphore, #tpu.memory_space<semaphore_mem>>) src(%dma_wait3A_27 : memref<640x128xf32, #tpu.memory_space<vmem_shared>>) dst(%dma_wait3A_25 : memref<640x128xf32, #tpu.memory_space<hbm>>)
        tpu.yield
      }) : () -> ()
    } else {
    }
    %eq3A_13 = arith.constant 1 : i32
    %eq3A_14 = arith.cmpi eq, %arg0, %eq3A_13 : i32
    %convert_element_type3A_15 = arith.extui %eq3A_14 : i1 to i32
    %cond3A_16 = arith.constant 0 : i32
    %cond3A_17 = arith.cmpi ne, %convert_element_type3A_15, %cond3A_16 : i32
    scf.if %cond3A_17 {
      %mul3A_18 = arith.constant 640 : i32
      %mul3A_19 = arith.muli %arg1, %mul3A_18 : i32
      %mul3A_20 = arith.constant 640 : i32
      %mul3A_21 = arith.muli %arg1, %mul3A_20 : i32
      "tpu.region"() ({
        %run_scoped3A = tpu.sem_alloc : memref<!tpu.dma_semaphore, #tpu.memory_space<semaphore_mem>>
        %dma_start3A = arith.constant 0 : i32
        %dma_start3A_22 = tpu.memref_slice %arg7[%mul3A_21, %dma_start3A] : memref<10240x128xf32, #tpu.memory_space<hbm>> -> memref<640x128xf32, #tpu.memory_space<hbm>>
        %dma_start3A_23 = arith.constant 0 : i32
        %dma_start3A_24 = tpu.memref_slice %arg12[%mul3A_19, %dma_start3A_23] : memref<10240x128xf32, #tpu.memory_space<vmem_shared>> -> memref<640x128xf32, #tpu.memory_space<vmem_shared>>
        tpu.enqueue_dma source(%dma_start3A_24 : memref<640x128xf32, #tpu.memory_space<vmem_shared>>) target(%dma_start3A_22 : memref<640x128xf32, #tpu.memory_space<hbm>>) target_semaphore(%run_scoped3A : memref<!tpu.dma_semaphore, #tpu.memory_space<semaphore_mem>>)
        %dma_wait3A = arith.constant 0 : i32
        %dma_wait3A_25 = tpu.memref_slice %arg7[%mul3A_21, %dma_wait3A] : memref<10240x128xf32, #tpu.memory_space<hbm>> -> memref<640x128xf32, #tpu.memory_space<hbm>>
        %dma_wait3A_26 = arith.constant 0 : i32
        %dma_wait3A_27 = tpu.memref_slice %arg12[%mul3A_19, %dma_wait3A_26] : memref<10240x128xf32, #tpu.memory_space<vmem_shared>> -> memref<640x128xf32, #tpu.memory_space<vmem_shared>>
        tpu.wait_dma2 semaphore(%run_scoped3A : memref<!tpu.dma_semaphore, #tpu.memory_space<semaphore_mem>>) src(%dma_wait3A_27 : memref<640x128xf32, #tpu.memory_space<vmem_shared>>) dst(%dma_wait3A_25 : memref<640x128xf32, #tpu.memory_space<hbm>>)
        tpu.yield
      }) : () -> ()
    } else {
    }
    return
  }
}

#map = affine_map<(d0, d1) -> (0, 0)>
#map1 = affine_map<(d0, d1) -> (0, 0, 0)>
module attributes {stable_mosaic.version = 14 : i64} {
  func.func @_pool_body(%arg0: i32, %arg1: i32, %arg2: memref<10240x128xf32, #tpu.memory_space<hbm>>, %arg3: memref<32x4x80xi32, #tpu.memory_space<hbm>>, %arg4: memref<144x128xf32, #tpu.memory_space<hbm>>, %arg5: memref<80x128xf32, #tpu.memory_space<hbm>>, %arg6: memref<144x128xf32, #tpu.memory_space<hbm>>, %arg7: memref<144x128xf32, #tpu.memory_space<hbm>>, %arg8: memref<144x128xf32, #tpu.memory_space<hbm>>, %arg9: memref<144x128xf32, #tpu.memory_space<hbm>>, %arg10: memref<4x80xi32, #tpu.memory_space<vmem>>, %arg11: memref<80x128xf32, #tpu.memory_space<vmem>>, %arg12: memref<80x128xf32, #tpu.memory_space<vmem>>, %arg13: memref<144x128xf32, #tpu.memory_space<vmem_shared>>, %arg14: memref<144x128xf32, #tpu.memory_space<vmem_shared>>) attributes {dimension_semantics = [#tpu.dimension_semantics<core_parallel>, #tpu.dimension_semantics<subcore_parallel>], iteration_bounds = array<i64: 2, 16>, scalar_prefetch = 0 : i64, scratch_operands = 5 : i64, tpu.core_type = #tpu.core_type<sc_vector_subcore>, window_params = [{transform_indices = #map}, {transform_indices = #map1}, {transform_indices = #map}, {transform_indices = #map}, {transform_indices = #map}, {transform_indices = #map}, {transform_indices = #map}, {transform_indices = #map}]} {
    %mul3A = arith.constant 16 : i32
    %mul3A_0 = arith.muli %arg0, %mul3A : i32
    %add3A = arith.addi %mul3A_0, %arg1 : i32
    %eq3A = arith.constant 0 : i32
    %eq3A_1 = arith.cmpi eq, %arg1, %eq3A : i32
    %convert_element_type3A = arith.extui %eq3A_1 : i1 to i32
    %cond3A = arith.constant 0 : i32
    %cond3A_2 = arith.cmpi ne, %convert_element_type3A, %cond3A : i32
    scf.if %cond3A_2 {
      "tpu.region"() ({
        %run_scoped3A = tpu.sem_alloc : memref<!tpu.dma_semaphore, #tpu.memory_space<semaphore_mem>>
        tpu.enqueue_dma source(%arg4 : memref<144x128xf32, #tpu.memory_space<hbm>>) target(%arg13 : memref<144x128xf32, #tpu.memory_space<vmem_shared>>) target_semaphore(%run_scoped3A : memref<!tpu.dma_semaphore, #tpu.memory_space<semaphore_mem>>)
        tpu.wait_dma2 semaphore(%run_scoped3A : memref<!tpu.dma_semaphore, #tpu.memory_space<semaphore_mem>>) src(%arg4 : memref<144x128xf32, #tpu.memory_space<hbm>>) dst(%arg13 : memref<144x128xf32, #tpu.memory_space<vmem_shared>>)
        tpu.yield
      }) : () -> ()
      "tpu.region"() ({
        %run_scoped3A = tpu.sem_alloc : memref<!tpu.dma_semaphore, #tpu.memory_space<semaphore_mem>>
        tpu.enqueue_dma source(%arg4 : memref<144x128xf32, #tpu.memory_space<hbm>>) target(%arg14 : memref<144x128xf32, #tpu.memory_space<vmem_shared>>) target_semaphore(%run_scoped3A : memref<!tpu.dma_semaphore, #tpu.memory_space<semaphore_mem>>)
        tpu.wait_dma2 semaphore(%run_scoped3A : memref<!tpu.dma_semaphore, #tpu.memory_space<semaphore_mem>>) src(%arg4 : memref<144x128xf32, #tpu.memory_space<hbm>>) dst(%arg14 : memref<144x128xf32, #tpu.memory_space<vmem_shared>>)
        tpu.yield
      }) : () -> ()
    } else {
    }
    "tpu.region"() ({
      %run_scoped3A = tpu.sem_alloc : memref<!tpu.dma_semaphore, #tpu.memory_space<semaphore_mem>>
      %dma_start3A = arith.constant 0 : i32
      %dma_start3A_14 = arith.constant 0 : i32
      %dma_start3A_15 = tpu.memref_slice %arg3[%add3A, %dma_start3A, %dma_start3A_14] : memref<32x4x80xi32, #tpu.memory_space<hbm>> -> memref<1x4x80xi32, #tpu.memory_space<hbm>>
      %dma_start3A_16 = tpu.memref_squeeze %dma_start3A_15 : memref<1x4x80xi32, #tpu.memory_space<hbm>> -> memref<4x80xi32, #tpu.memory_space<hbm>>
      %dma_start3A_17 = arith.constant 0 : i32
      %dma_start3A_18 = arith.constant 0 : i32
      %dma_start3A_19 = tpu.memref_slice %arg3[%add3A, %dma_start3A_17, %dma_start3A_18] : memref<32x4x80xi32, #tpu.memory_space<hbm>> -> memref<1x4x80xi32, #tpu.memory_space<hbm>>
      %dma_start3A_20 = tpu.memref_squeeze %dma_start3A_19 : memref<1x4x80xi32, #tpu.memory_space<hbm>> -> memref<4x80xi32, #tpu.memory_space<hbm>>
      tpu.enqueue_dma source(%dma_start3A_20 : memref<4x80xi32, #tpu.memory_space<hbm>>) target(%arg10 : memref<4x80xi32, #tpu.memory_space<vmem>>) target_semaphore(%run_scoped3A : memref<!tpu.dma_semaphore, #tpu.memory_space<semaphore_mem>>)
      %dma_wait3A = arith.constant 0 : i32
      %dma_wait3A_21 = arith.constant 0 : i32
      %dma_wait3A_22 = tpu.memref_slice %arg3[%add3A, %dma_wait3A, %dma_wait3A_21] : memref<32x4x80xi32, #tpu.memory_space<hbm>> -> memref<1x4x80xi32, #tpu.memory_space<hbm>>
      %dma_wait3A_23 = tpu.memref_squeeze %dma_wait3A_22 : memref<1x4x80xi32, #tpu.memory_space<hbm>> -> memref<4x80xi32, #tpu.memory_space<hbm>>
      %dma_wait3A_24 = arith.constant 0 : i32
      %dma_wait3A_25 = arith.constant 0 : i32
      %dma_wait3A_26 = tpu.memref_slice %arg3[%add3A, %dma_wait3A_24, %dma_wait3A_25] : memref<32x4x80xi32, #tpu.memory_space<hbm>> -> memref<1x4x80xi32, #tpu.memory_space<hbm>>
      %dma_wait3A_27 = tpu.memref_squeeze %dma_wait3A_26 : memref<1x4x80xi32, #tpu.memory_space<hbm>> -> memref<4x80xi32, #tpu.memory_space<hbm>>
      tpu.wait_dma2 semaphore(%run_scoped3A : memref<!tpu.dma_semaphore, #tpu.memory_space<semaphore_mem>>) src(%dma_wait3A_27 : memref<4x80xi32, #tpu.memory_space<hbm>>) dst(%arg10 : memref<4x80xi32, #tpu.memory_space<vmem>>)
      tpu.yield
    }) : () -> ()
    "tpu.region"() ({
      %run_scoped3A = tpu.sem_alloc : memref<!tpu.dma_semaphore, #tpu.memory_space<semaphore_mem>>
      tpu.enqueue_dma source(%arg5 : memref<80x128xf32, #tpu.memory_space<hbm>>) target(%arg12 : memref<80x128xf32, #tpu.memory_space<vmem>>) target_semaphore(%run_scoped3A : memref<!tpu.dma_semaphore, #tpu.memory_space<semaphore_mem>>)
      tpu.wait_dma2 semaphore(%run_scoped3A : memref<!tpu.dma_semaphore, #tpu.memory_space<semaphore_mem>>) src(%arg5 : memref<80x128xf32, #tpu.memory_space<hbm>>) dst(%arg12 : memref<80x128xf32, #tpu.memory_space<vmem>>)
      tpu.yield
    }) : () -> ()
    %barrier3A = arith.constant 0 : index
    tpu.barrier barrier_id(%barrier3A)
    %scan3A = arith.constant 0 : i32
    %scan3A_3 = arith.constant 0 : i32
    %scan3A_4 = arith.constant 4 : i32
    %scan3A_5 = arith.addi %scan3A_3, %scan3A_4 : i32
    %scan3A_6 = arith.constant 1 : i32
    scf.for %scan3A_14 = %scan3A_3 to %scan3A_5 step %scan3A_6  : i32 {
      %mul3A_15 = arith.constant 320 : i32
      %mul3A_16 = arith.muli %add3A, %mul3A_15 : i32
      %mul3A_17 = arith.constant 80 : i32
      %mul3A_18 = arith.muli %scan3A_14, %mul3A_17 : i32
      %add3A_19 = arith.addi %mul3A_16, %mul3A_18 : i32
      "tpu.region"() ({
        %run_scoped3A = tpu.sem_alloc : memref<!tpu.dma_semaphore, #tpu.memory_space<semaphore_mem>>
        %dma_start3A = arith.constant 0 : i32
        %dma_start3A_20 = tpu.memref_slice %arg2[%add3A_19, %dma_start3A] : memref<10240x128xf32, #tpu.memory_space<hbm>> -> memref<80x128xf32, #tpu.memory_space<hbm>>
        %dma_start3A_21 = arith.constant 0 : i32
        %dma_start3A_22 = tpu.memref_slice %arg2[%add3A_19, %dma_start3A_21] : memref<10240x128xf32, #tpu.memory_space<hbm>> -> memref<80x128xf32, #tpu.memory_space<hbm>>
        tpu.enqueue_dma source(%dma_start3A_22 : memref<80x128xf32, #tpu.memory_space<hbm>>) target(%arg11 : memref<80x128xf32, #tpu.memory_space<vmem>>) target_semaphore(%run_scoped3A : memref<!tpu.dma_semaphore, #tpu.memory_space<semaphore_mem>>)
        %dma_wait3A = arith.constant 0 : i32
        %dma_wait3A_23 = tpu.memref_slice %arg2[%add3A_19, %dma_wait3A] : memref<10240x128xf32, #tpu.memory_space<hbm>> -> memref<80x128xf32, #tpu.memory_space<hbm>>
        %dma_wait3A_24 = arith.constant 0 : i32
        %dma_wait3A_25 = tpu.memref_slice %arg2[%add3A_19, %dma_wait3A_24] : memref<10240x128xf32, #tpu.memory_space<hbm>> -> memref<80x128xf32, #tpu.memory_space<hbm>>
        tpu.wait_dma2 semaphore(%run_scoped3A : memref<!tpu.dma_semaphore, #tpu.memory_space<semaphore_mem>>) src(%dma_wait3A_25 : memref<80x128xf32, #tpu.memory_space<hbm>>) dst(%arg11 : memref<80x128xf32, #tpu.memory_space<vmem>>)
        tpu.yield
      }) : () -> ()
      "tpu.region"() ({
        %run_scoped3A = tpu.sem_alloc : memref<!tpu.dma_semaphore, #tpu.memory_space<semaphore_mem>>
        %dma_start3A = arith.constant 0 : i32
        %dma_start3A_20 = tpu.memref_slice %arg10[%scan3A_14, %dma_start3A] : memref<4x80xi32, #tpu.memory_space<vmem>> -> memref<1x80xi32, #tpu.memory_space<vmem>>
        %dma_start3A_21 = tpu.memref_squeeze %dma_start3A_20 : memref<1x80xi32, #tpu.memory_space<vmem>> -> memref<80xi32, #tpu.memory_space<vmem>>
        %dma_start3A_22 = arith.constant 0 : i32
        %dma_start3A_23 = arith.constant 0 : i32
        %dma_start3A_24 = tpu.memref_slice %arg13[%dma_start3A_22, %dma_start3A_23] : memref<144x128xf32, #tpu.memory_space<vmem_shared>> -> memref<144x128xf32, #tpu.memory_space<vmem_shared>>
        tpu.enqueue_indirect_dma source(%arg11 : memref<80x128xf32, #tpu.memory_space<vmem>>) target(%dma_start3A_24 : memref<144x128xf32, #tpu.memory_space<vmem_shared>>) offsets(%dma_start3A_21 : memref<80xi32, #tpu.memory_space<vmem>>) semaphore(%run_scoped3A : memref<!tpu.dma_semaphore, #tpu.memory_space<semaphore_mem>>) {add = true}
        %dma_wait3A = arith.constant 0 : i32
        %dma_wait3A_25 = tpu.memref_slice %arg10[%scan3A_14, %dma_wait3A] : memref<4x80xi32, #tpu.memory_space<vmem>> -> memref<1x80xi32, #tpu.memory_space<vmem>>
        %dma_wait3A_26 = tpu.memref_squeeze %dma_wait3A_25 : memref<1x80xi32, #tpu.memory_space<vmem>> -> memref<80xi32, #tpu.memory_space<vmem>>
        %dma_wait3A_27 = arith.constant 0 : i32
        %dma_wait3A_28 = arith.constant 0 : i32
        %dma_wait3A_29 = tpu.memref_slice %arg13[%dma_wait3A_27, %dma_wait3A_28] : memref<144x128xf32, #tpu.memory_space<vmem_shared>> -> memref<144x128xf32, #tpu.memory_space<vmem_shared>>
        tpu.wait_indirect_dma semaphore(%run_scoped3A : memref<!tpu.dma_semaphore, #tpu.memory_space<semaphore_mem>>) src(%arg11 : memref<80x128xf32, #tpu.memory_space<vmem>>) dst(%dma_wait3A_29 : memref<144x128xf32, #tpu.memory_space<vmem_shared>>)
        tpu.yield
      }) : () -> ()
      "tpu.region"() ({
        %run_scoped3A = tpu.sem_alloc : memref<!tpu.dma_semaphore, #tpu.memory_space<semaphore_mem>>
        %dma_start3A = arith.constant 0 : i32
        %dma_start3A_20 = tpu.memref_slice %arg10[%scan3A_14, %dma_start3A] : memref<4x80xi32, #tpu.memory_space<vmem>> -> memref<1x80xi32, #tpu.memory_space<vmem>>
        %dma_start3A_21 = tpu.memref_squeeze %dma_start3A_20 : memref<1x80xi32, #tpu.memory_space<vmem>> -> memref<80xi32, #tpu.memory_space<vmem>>
        %dma_start3A_22 = arith.constant 0 : i32
        %dma_start3A_23 = arith.constant 0 : i32
        %dma_start3A_24 = tpu.memref_slice %arg14[%dma_start3A_22, %dma_start3A_23] : memref<144x128xf32, #tpu.memory_space<vmem_shared>> -> memref<144x128xf32, #tpu.memory_space<vmem_shared>>
        tpu.enqueue_indirect_dma source(%arg12 : memref<80x128xf32, #tpu.memory_space<vmem>>) target(%dma_start3A_24 : memref<144x128xf32, #tpu.memory_space<vmem_shared>>) offsets(%dma_start3A_21 : memref<80xi32, #tpu.memory_space<vmem>>) semaphore(%run_scoped3A : memref<!tpu.dma_semaphore, #tpu.memory_space<semaphore_mem>>) {add = true}
        %dma_wait3A = arith.constant 0 : i32
        %dma_wait3A_25 = tpu.memref_slice %arg10[%scan3A_14, %dma_wait3A] : memref<4x80xi32, #tpu.memory_space<vmem>> -> memref<1x80xi32, #tpu.memory_space<vmem>>
        %dma_wait3A_26 = tpu.memref_squeeze %dma_wait3A_25 : memref<1x80xi32, #tpu.memory_space<vmem>> -> memref<80xi32, #tpu.memory_space<vmem>>
        %dma_wait3A_27 = arith.constant 0 : i32
        %dma_wait3A_28 = arith.constant 0 : i32
        %dma_wait3A_29 = tpu.memref_slice %arg14[%dma_wait3A_27, %dma_wait3A_28] : memref<144x128xf32, #tpu.memory_space<vmem_shared>> -> memref<144x128xf32, #tpu.memory_space<vmem_shared>>
        tpu.wait_indirect_dma semaphore(%run_scoped3A : memref<!tpu.dma_semaphore, #tpu.memory_space<semaphore_mem>>) src(%arg12 : memref<80x128xf32, #tpu.memory_space<vmem>>) dst(%dma_wait3A_29 : memref<144x128xf32, #tpu.memory_space<vmem_shared>>)
        tpu.yield
      }) : () -> ()
    }
    %scan3A_7 = arith.constant 4 : i32
    %barrier3A_8 = arith.constant 0 : index
    tpu.barrier barrier_id(%barrier3A_8)
    %eq3A_9 = arith.constant 0 : i32
    %eq3A_10 = arith.cmpi eq, %arg1, %eq3A_9 : i32
    %convert_element_type3A_11 = arith.extui %eq3A_10 : i1 to i32
    %cond3A_12 = arith.constant 0 : i32
    %cond3A_13 = arith.cmpi ne, %convert_element_type3A_11, %cond3A_12 : i32
    scf.if %cond3A_13 {
      %eq3A_14 = arith.constant 0 : i32
      %eq3A_15 = arith.cmpi eq, %arg0, %eq3A_14 : i32
      %convert_element_type3A_16 = arith.extui %eq3A_15 : i1 to i32
      %cond3A_17 = arith.constant 0 : i32
      %cond3A_18 = arith.cmpi ne, %convert_element_type3A_16, %cond3A_17 : i32
      scf.if %cond3A_18 {
        "tpu.region"() ({
          %run_scoped3A = tpu.sem_alloc : memref<!tpu.dma_semaphore, #tpu.memory_space<semaphore_mem>>
          tpu.enqueue_dma source(%arg13 : memref<144x128xf32, #tpu.memory_space<vmem_shared>>) target(%arg6 : memref<144x128xf32, #tpu.memory_space<hbm>>) target_semaphore(%run_scoped3A : memref<!tpu.dma_semaphore, #tpu.memory_space<semaphore_mem>>)
          tpu.wait_dma2 semaphore(%run_scoped3A : memref<!tpu.dma_semaphore, #tpu.memory_space<semaphore_mem>>) src(%arg13 : memref<144x128xf32, #tpu.memory_space<vmem_shared>>) dst(%arg6 : memref<144x128xf32, #tpu.memory_space<hbm>>)
          tpu.yield
        }) : () -> ()
        "tpu.region"() ({
          %run_scoped3A = tpu.sem_alloc : memref<!tpu.dma_semaphore, #tpu.memory_space<semaphore_mem>>
          tpu.enqueue_dma source(%arg14 : memref<144x128xf32, #tpu.memory_space<vmem_shared>>) target(%arg8 : memref<144x128xf32, #tpu.memory_space<hbm>>) target_semaphore(%run_scoped3A : memref<!tpu.dma_semaphore, #tpu.memory_space<semaphore_mem>>)
          tpu.wait_dma2 semaphore(%run_scoped3A : memref<!tpu.dma_semaphore, #tpu.memory_space<semaphore_mem>>) src(%arg14 : memref<144x128xf32, #tpu.memory_space<vmem_shared>>) dst(%arg8 : memref<144x128xf32, #tpu.memory_space<hbm>>)
          tpu.yield
        }) : () -> ()
      } else {
      }
      %eq3A_19 = arith.constant 1 : i32
      %eq3A_20 = arith.cmpi eq, %arg0, %eq3A_19 : i32
      %convert_element_type3A_21 = arith.extui %eq3A_20 : i1 to i32
      %cond3A_22 = arith.constant 0 : i32
      %cond3A_23 = arith.cmpi ne, %convert_element_type3A_21, %cond3A_22 : i32
      scf.if %cond3A_23 {
        "tpu.region"() ({
          %run_scoped3A = tpu.sem_alloc : memref<!tpu.dma_semaphore, #tpu.memory_space<semaphore_mem>>
          tpu.enqueue_dma source(%arg13 : memref<144x128xf32, #tpu.memory_space<vmem_shared>>) target(%arg7 : memref<144x128xf32, #tpu.memory_space<hbm>>) target_semaphore(%run_scoped3A : memref<!tpu.dma_semaphore, #tpu.memory_space<semaphore_mem>>)
          tpu.wait_dma2 semaphore(%run_scoped3A : memref<!tpu.dma_semaphore, #tpu.memory_space<semaphore_mem>>) src(%arg13 : memref<144x128xf32, #tpu.memory_space<vmem_shared>>) dst(%arg7 : memref<144x128xf32, #tpu.memory_space<hbm>>)
          tpu.yield
        }) : () -> ()
        "tpu.region"() ({
          %run_scoped3A = tpu.sem_alloc : memref<!tpu.dma_semaphore, #tpu.memory_space<semaphore_mem>>
          tpu.enqueue_dma source(%arg14 : memref<144x128xf32, #tpu.memory_space<vmem_shared>>) target(%arg9 : memref<144x128xf32, #tpu.memory_space<hbm>>) target_semaphore(%run_scoped3A : memref<!tpu.dma_semaphore, #tpu.memory_space<semaphore_mem>>)
          tpu.wait_dma2 semaphore(%run_scoped3A : memref<!tpu.dma_semaphore, #tpu.memory_space<semaphore_mem>>) src(%arg14 : memref<144x128xf32, #tpu.memory_space<vmem_shared>>) dst(%arg9 : memref<144x128xf32, #tpu.memory_space<hbm>>)
          tpu.yield
        }) : () -> ()
      } else {
      }
    } else {
    }
    return
  }
}

#map = affine_map<(d0, d1) -> (0, 0)>
#map1 = affine_map<(d0, d1) -> (0)>
#map2 = affine_map<(d0, d1) -> (0, 0, 0)>
module attributes {stable_mosaic.version = 14 : i64} {
  func.func @_agg_body(%arg0: i32, %arg1: i32, %arg2: memref<10240x128xf32, #tpu.memory_space<hbm>>, %arg3: memref<320000xi32, #tpu.memory_space<hbm>>, %arg4: memref<32x125x80xi32, #tpu.memory_space<hbm>>, %arg5: memref<640x128xf32, #tpu.memory_space<hbm>>, %arg6: memref<10240x128xf32, #tpu.memory_space<hbm>>, %arg7: memref<10240x128xf32, #tpu.memory_space<hbm>>, %arg8: memref<10000xi32, #tpu.memory_space<vmem>>, %arg9: memref<125x80xi32, #tpu.memory_space<vmem>>, %arg10: memref<80x128xf32, #tpu.memory_space<vmem>>, %arg11: memref<!tpu.dma_semaphore, #tpu.memory_space<semaphore_mem>>, %arg12: memref<10240x128xf32, #tpu.memory_space<vmem_shared>>) attributes {dimension_semantics = [#tpu.dimension_semantics<core_parallel>, #tpu.dimension_semantics<subcore_parallel>], iteration_bounds = array<i64: 2, 16>, scalar_prefetch = 0 : i64, scratch_operands = 5 : i64, tpu.core_type = #tpu.core_type<sc_vector_subcore>, window_params = [{transform_indices = #map}, {transform_indices = #map1}, {transform_indices = #map2}, {transform_indices = #map}, {transform_indices = #map}, {transform_indices = #map}]} {
    %mul3A = arith.constant 16 : i32
    %mul3A_0 = arith.muli %arg0, %mul3A : i32
    %add3A = arith.addi %mul3A_0, %arg1 : i32
    %mul3A_1 = arith.constant 640 : i32
    %mul3A_2 = arith.muli %arg1, %mul3A_1 : i32
    "tpu.region"() ({
      %run_scoped3A = tpu.sem_alloc : memref<!tpu.dma_semaphore, #tpu.memory_space<semaphore_mem>>
      %dma_start3A = arith.constant 0 : i32
      %dma_start3A_18 = tpu.memref_slice %arg12[%mul3A_2, %dma_start3A] : memref<10240x128xf32, #tpu.memory_space<vmem_shared>> -> memref<640x128xf32, #tpu.memory_space<vmem_shared>>
      tpu.enqueue_dma source(%arg5 : memref<640x128xf32, #tpu.memory_space<hbm>>) target(%dma_start3A_18 : memref<640x128xf32, #tpu.memory_space<vmem_shared>>) target_semaphore(%run_scoped3A : memref<!tpu.dma_semaphore, #tpu.memory_space<semaphore_mem>>)
      %dma_wait3A = arith.constant 0 : i32
      %dma_wait3A_19 = tpu.memref_slice %arg12[%mul3A_2, %dma_wait3A] : memref<10240x128xf32, #tpu.memory_space<vmem_shared>> -> memref<640x128xf32, #tpu.memory_space<vmem_shared>>
      tpu.wait_dma2 semaphore(%run_scoped3A : memref<!tpu.dma_semaphore, #tpu.memory_space<semaphore_mem>>) src(%arg5 : memref<640x128xf32, #tpu.memory_space<hbm>>) dst(%dma_wait3A_19 : memref<640x128xf32, #tpu.memory_space<vmem_shared>>)
      tpu.yield
    }) : () -> ()
    %mul3A_3 = arith.constant 10000 : i32
    %mul3A_4 = arith.muli %add3A, %mul3A_3 : i32
    "tpu.region"() ({
      %run_scoped3A = tpu.sem_alloc : memref<!tpu.dma_semaphore, #tpu.memory_space<semaphore_mem>>
      %dma_start3A = tpu.memref_slice %arg3[%mul3A_4] : memref<320000xi32, #tpu.memory_space<hbm>> -> memref<10000xi32, #tpu.memory_space<hbm>>
      %dma_start3A_18 = tpu.memref_slice %arg3[%mul3A_4] : memref<320000xi32, #tpu.memory_space<hbm>> -> memref<10000xi32, #tpu.memory_space<hbm>>
      tpu.enqueue_dma source(%dma_start3A_18 : memref<10000xi32, #tpu.memory_space<hbm>>) target(%arg8 : memref<10000xi32, #tpu.memory_space<vmem>>) target_semaphore(%run_scoped3A : memref<!tpu.dma_semaphore, #tpu.memory_space<semaphore_mem>>)
      %dma_wait3A = tpu.memref_slice %arg3[%mul3A_4] : memref<320000xi32, #tpu.memory_space<hbm>> -> memref<10000xi32, #tpu.memory_space<hbm>>
      %dma_wait3A_19 = tpu.memref_slice %arg3[%mul3A_4] : memref<320000xi32, #tpu.memory_space<hbm>> -> memref<10000xi32, #tpu.memory_space<hbm>>
      tpu.wait_dma2 semaphore(%run_scoped3A : memref<!tpu.dma_semaphore, #tpu.memory_space<semaphore_mem>>) src(%dma_wait3A_19 : memref<10000xi32, #tpu.memory_space<hbm>>) dst(%arg8 : memref<10000xi32, #tpu.memory_space<vmem>>)
      tpu.yield
    }) : () -> ()
    "tpu.region"() ({
      %run_scoped3A = tpu.sem_alloc : memref<!tpu.dma_semaphore, #tpu.memory_space<semaphore_mem>>
      %dma_start3A = arith.constant 0 : i32
      %dma_start3A_18 = arith.constant 0 : i32
      %dma_start3A_19 = tpu.memref_slice %arg4[%add3A, %dma_start3A, %dma_start3A_18] : memref<32x125x80xi32, #tpu.memory_space<hbm>> -> memref<1x125x80xi32, #tpu.memory_space<hbm>>
      %dma_start3A_20 = tpu.memref_squeeze %dma_start3A_19 : memref<1x125x80xi32, #tpu.memory_space<hbm>> -> memref<125x80xi32, #tpu.memory_space<hbm>>
      %dma_start3A_21 = arith.constant 0 : i32
      %dma_start3A_22 = arith.constant 0 : i32
      %dma_start3A_23 = tpu.memref_slice %arg4[%add3A, %dma_start3A_21, %dma_start3A_22] : memref<32x125x80xi32, #tpu.memory_space<hbm>> -> memref<1x125x80xi32, #tpu.memory_space<hbm>>
      %dma_start3A_24 = tpu.memref_squeeze %dma_start3A_23 : memref<1x125x80xi32, #tpu.memory_space<hbm>> -> memref<125x80xi32, #tpu.memory_space<hbm>>
      tpu.enqueue_dma source(%dma_start3A_24 : memref<125x80xi32, #tpu.memory_space<hbm>>) target(%arg9 : memref<125x80xi32, #tpu.memory_space<vmem>>) target_semaphore(%run_scoped3A : memref<!tpu.dma_semaphore, #tpu.memory_space<semaphore_mem>>)
      %dma_wait3A = arith.constant 0 : i32
      %dma_wait3A_25 = arith.constant 0 : i32
      %dma_wait3A_26 = tpu.memref_slice %arg4[%add3A, %dma_wait3A, %dma_wait3A_25] : memref<32x125x80xi32, #tpu.memory_space<hbm>> -> memref<1x125x80xi32, #tpu.memory_space<hbm>>
      %dma_wait3A_27 = tpu.memref_squeeze %dma_wait3A_26 : memref<1x125x80xi32, #tpu.memory_space<hbm>> -> memref<125x80xi32, #tpu.memory_space<hbm>>
      %dma_wait3A_28 = arith.constant 0 : i32
      %dma_wait3A_29 = arith.constant 0 : i32
      %dma_wait3A_30 = tpu.memref_slice %arg4[%add3A, %dma_wait3A_28, %dma_wait3A_29] : memref<32x125x80xi32, #tpu.memory_space<hbm>> -> memref<1x125x80xi32, #tpu.memory_space<hbm>>
      %dma_wait3A_31 = tpu.memref_squeeze %dma_wait3A_30 : memref<1x125x80xi32, #tpu.memory_space<hbm>> -> memref<125x80xi32, #tpu.memory_space<hbm>>
      tpu.wait_dma2 semaphore(%run_scoped3A : memref<!tpu.dma_semaphore, #tpu.memory_space<semaphore_mem>>) src(%dma_wait3A_31 : memref<125x80xi32, #tpu.memory_space<hbm>>) dst(%arg9 : memref<125x80xi32, #tpu.memory_space<vmem>>)
      tpu.yield
    }) : () -> ()
    %barrier3A = arith.constant 0 : index
    tpu.barrier barrier_id(%barrier3A)
    %scan3A = arith.constant 0 : i32
    %scan3A_5 = arith.constant 0 : i32
    %scan3A_6 = arith.constant 125 : i32
    %scan3A_7 = arith.addi %scan3A_5, %scan3A_6 : i32
    %scan3A_8 = arith.constant 1 : i32
    scf.for %scan3A_18 = %scan3A_5 to %scan3A_7 step %scan3A_8  : i32 {
      %mul3A_19 = arith.constant 80 : i32
      %mul3A_20 = arith.muli %scan3A_18, %mul3A_19 : i32
      %dma_start3A = tpu.memref_slice %arg8[%mul3A_20] : memref<10000xi32, #tpu.memory_space<vmem>> -> memref<80xi32, #tpu.memory_space<vmem>>
      %dma_start3A_21 = arith.constant 0 : i32
      %dma_start3A_22 = arith.constant 0 : i32
      %dma_start3A_23 = tpu.memref_slice %arg2[%dma_start3A_21, %dma_start3A_22] : memref<10240x128xf32, #tpu.memory_space<hbm>> -> memref<10240x128xf32, #tpu.memory_space<hbm>>
      tpu.enqueue_indirect_dma source(%dma_start3A_23 : memref<10240x128xf32, #tpu.memory_space<hbm>>) target(%arg10 : memref<80x128xf32, #tpu.memory_space<vmem>>) offsets(%dma_start3A : memref<80xi32, #tpu.memory_space<vmem>>) semaphore(%arg11 : memref<!tpu.dma_semaphore, #tpu.memory_space<semaphore_mem>>)
      %dma_wait3A = tpu.memref_slice %arg8[%mul3A_20] : memref<10000xi32, #tpu.memory_space<vmem>> -> memref<80xi32, #tpu.memory_space<vmem>>
      %dma_wait3A_24 = arith.constant 0 : i32
      %dma_wait3A_25 = arith.constant 0 : i32
      %dma_wait3A_26 = tpu.memref_slice %arg2[%dma_wait3A_24, %dma_wait3A_25] : memref<10240x128xf32, #tpu.memory_space<hbm>> -> memref<10240x128xf32, #tpu.memory_space<hbm>>
      tpu.wait_indirect_dma semaphore(%arg11 : memref<!tpu.dma_semaphore, #tpu.memory_space<semaphore_mem>>) src(%dma_wait3A_26 : memref<10240x128xf32, #tpu.memory_space<hbm>>) dst(%arg10 : memref<80x128xf32, #tpu.memory_space<vmem>>)
      "tpu.region"() ({
        %run_scoped3A = tpu.sem_alloc : memref<!tpu.dma_semaphore, #tpu.memory_space<semaphore_mem>>
        %dma_start3A_27 = arith.constant 0 : i32
        %dma_start3A_28 = tpu.memref_slice %arg9[%scan3A_18, %dma_start3A_27] : memref<125x80xi32, #tpu.memory_space<vmem>> -> memref<1x80xi32, #tpu.memory_space<vmem>>
        %dma_start3A_29 = tpu.memref_squeeze %dma_start3A_28 : memref<1x80xi32, #tpu.memory_space<vmem>> -> memref<80xi32, #tpu.memory_space<vmem>>
        %dma_start3A_30 = arith.constant 0 : i32
        %dma_start3A_31 = arith.constant 0 : i32
        %dma_start3A_32 = tpu.memref_slice %arg12[%dma_start3A_30, %dma_start3A_31] : memref<10240x128xf32, #tpu.memory_space<vmem_shared>> -> memref<10240x128xf32, #tpu.memory_space<vmem_shared>>
        tpu.enqueue_indirect_dma source(%arg10 : memref<80x128xf32, #tpu.memory_space<vmem>>) target(%dma_start3A_32 : memref<10240x128xf32, #tpu.memory_space<vmem_shared>>) offsets(%dma_start3A_29 : memref<80xi32, #tpu.memory_space<vmem>>) semaphore(%run_scoped3A : memref<!tpu.dma_semaphore, #tpu.memory_space<semaphore_mem>>) {add = true}
        %dma_wait3A_33 = arith.constant 0 : i32
        %dma_wait3A_34 = tpu.memref_slice %arg9[%scan3A_18, %dma_wait3A_33] : memref<125x80xi32, #tpu.memory_space<vmem>> -> memref<1x80xi32, #tpu.memory_space<vmem>>
        %dma_wait3A_35 = tpu.memref_squeeze %dma_wait3A_34 : memref<1x80xi32, #tpu.memory_space<vmem>> -> memref<80xi32, #tpu.memory_space<vmem>>
        %dma_wait3A_36 = arith.constant 0 : i32
        %dma_wait3A_37 = arith.constant 0 : i32
        %dma_wait3A_38 = tpu.memref_slice %arg12[%dma_wait3A_36, %dma_wait3A_37] : memref<10240x128xf32, #tpu.memory_space<vmem_shared>> -> memref<10240x128xf32, #tpu.memory_space<vmem_shared>>
        tpu.wait_indirect_dma semaphore(%run_scoped3A : memref<!tpu.dma_semaphore, #tpu.memory_space<semaphore_mem>>) src(%arg10 : memref<80x128xf32, #tpu.memory_space<vmem>>) dst(%dma_wait3A_38 : memref<10240x128xf32, #tpu.memory_space<vmem_shared>>)
        tpu.yield
      }) : () -> ()
    }
    %scan3A_9 = arith.constant 125 : i32
    %barrier3A_10 = arith.constant 0 : index
    tpu.barrier barrier_id(%barrier3A_10)
    %eq3A = arith.constant 0 : i32
    %eq3A_11 = arith.cmpi eq, %arg0, %eq3A : i32
    %convert_element_type3A = arith.extui %eq3A_11 : i1 to i32
    %cond3A = arith.constant 0 : i32
    %cond3A_12 = arith.cmpi ne, %convert_element_type3A, %cond3A : i32
    scf.if %cond3A_12 {
      %mul3A_18 = arith.constant 640 : i32
      %mul3A_19 = arith.muli %arg1, %mul3A_18 : i32
      %mul3A_20 = arith.constant 640 : i32
      %mul3A_21 = arith.muli %arg1, %mul3A_20 : i32
      "tpu.region"() ({
        %run_scoped3A = tpu.sem_alloc : memref<!tpu.dma_semaphore, #tpu.memory_space<semaphore_mem>>
        %dma_start3A = arith.constant 0 : i32
        %dma_start3A_22 = tpu.memref_slice %arg6[%mul3A_21, %dma_start3A] : memref<10240x128xf32, #tpu.memory_space<hbm>> -> memref<640x128xf32, #tpu.memory_space<hbm>>
        %dma_start3A_23 = arith.constant 0 : i32
        %dma_start3A_24 = tpu.memref_slice %arg12[%mul3A_19, %dma_start3A_23] : memref<10240x128xf32, #tpu.memory_space<vmem_shared>> -> memref<640x128xf32, #tpu.memory_space<vmem_shared>>
        tpu.enqueue_dma source(%dma_start3A_24 : memref<640x128xf32, #tpu.memory_space<vmem_shared>>) target(%dma_start3A_22 : memref<640x128xf32, #tpu.memory_space<hbm>>) target_semaphore(%run_scoped3A : memref<!tpu.dma_semaphore, #tpu.memory_space<semaphore_mem>>)
        %dma_wait3A = arith.constant 0 : i32
        %dma_wait3A_25 = tpu.memref_slice %arg6[%mul3A_21, %dma_wait3A] : memref<10240x128xf32, #tpu.memory_space<hbm>> -> memref<640x128xf32, #tpu.memory_space<hbm>>
        %dma_wait3A_26 = arith.constant 0 : i32
        %dma_wait3A_27 = tpu.memref_slice %arg12[%mul3A_19, %dma_wait3A_26] : memref<10240x128xf32, #tpu.memory_space<vmem_shared>> -> memref<640x128xf32, #tpu.memory_space<vmem_shared>>
        tpu.wait_dma2 semaphore(%run_scoped3A : memref<!tpu.dma_semaphore, #tpu.memory_space<semaphore_mem>>) src(%dma_wait3A_27 : memref<640x128xf32, #tpu.memory_space<vmem_shared>>) dst(%dma_wait3A_25 : memref<640x128xf32, #tpu.memory_space<hbm>>)
        tpu.yield
      }) : () -> ()
    } else {
    }
    %eq3A_13 = arith.constant 1 : i32
    %eq3A_14 = arith.cmpi eq, %arg0, %eq3A_13 : i32
    %convert_element_type3A_15 = arith.extui %eq3A_14 : i1 to i32
    %cond3A_16 = arith.constant 0 : i32
    %cond3A_17 = arith.cmpi ne, %convert_element_type3A_15, %cond3A_16 : i32
    scf.if %cond3A_17 {
      %mul3A_18 = arith.constant 640 : i32
      %mul3A_19 = arith.muli %arg1, %mul3A_18 : i32
      %mul3A_20 = arith.constant 640 : i32
      %mul3A_21 = arith.muli %arg1, %mul3A_20 : i32
      "tpu.region"() ({
        %run_scoped3A = tpu.sem_alloc : memref<!tpu.dma_semaphore, #tpu.memory_space<semaphore_mem>>
        %dma_start3A = arith.constant 0 : i32
        %dma_start3A_22 = tpu.memref_slice %arg7[%mul3A_21, %dma_start3A] : memref<10240x128xf32, #tpu.memory_space<hbm>> -> memref<640x128xf32, #tpu.memory_space<hbm>>
        %dma_start3A_23 = arith.constant 0 : i32
        %dma_start3A_24 = tpu.memref_slice %arg12[%mul3A_19, %dma_start3A_23] : memref<10240x128xf32, #tpu.memory_space<vmem_shared>> -> memref<640x128xf32, #tpu.memory_space<vmem_shared>>
        tpu.enqueue_dma source(%dma_start3A_24 : memref<640x128xf32, #tpu.memory_space<vmem_shared>>) target(%dma_start3A_22 : memref<640x128xf32, #tpu.memory_space<hbm>>) target_semaphore(%run_scoped3A : memref<!tpu.dma_semaphore, #tpu.memory_space<semaphore_mem>>)
        %dma_wait3A = arith.constant 0 : i32
        %dma_wait3A_25 = tpu.memref_slice %arg7[%mul3A_21, %dma_wait3A] : memref<10240x128xf32, #tpu.memory_space<hbm>> -> memref<640x128xf32, #tpu.memory_space<hbm>>
        %dma_wait3A_26 = arith.constant 0 : i32
        %dma_wait3A_27 = tpu.memref_slice %arg12[%mul3A_19, %dma_wait3A_26] : memref<10240x128xf32, #tpu.memory_space<vmem_shared>> -> memref<640x128xf32, #tpu.memory_space<vmem_shared>>
        tpu.wait_dma2 semaphore(%run_scoped3A : memref<!tpu.dma_semaphore, #tpu.memory_space<semaphore_mem>>) src(%dma_wait3A_27 : memref<640x128xf32, #tpu.memory_space<vmem_shared>>) dst(%dma_wait3A_25 : memref<640x128xf32, #tpu.memory_space<hbm>>)
        tpu.yield
      }) : () -> ()
    } else {
    }
    return
  }
}

module attributes {stable_mosaic.version = 14 : i64} {
  func.func @_lin_relu_tc(%arg0: i32, %arg1: memref<1280x128xf32, #tpu.memory_space<vmem>>, %arg2: memref<128x128xf32, #tpu.memory_space<vmem>>, %arg3: memref<1x128xf32, #tpu.memory_space<vmem>>, %arg4: memref<1280x128xf32, #tpu.memory_space<vmem>>) attributes {dimension_semantics = [#tpu.dimension_semantics<arbitrary>], iteration_bounds = array<i64: 8>, scalar_prefetch = 0 : i64, scratch_operands = 0 : i64, tpu.core_type = #tpu.core_type<tc>, window_params = [{transform_indices = @transform_0, window_bounds = array<i64: 1280, 128>}, {pipeline_mode = #tpu.pipeline_mode<synchronous>, transform_indices = @transform_1, window_bounds = array<i64: 128, 128>}, {pipeline_mode = #tpu.pipeline_mode<synchronous>, transform_indices = @transform_2, window_bounds = array<i64: 1, 128>}, {transform_indices = @transform_3, window_bounds = array<i64: 1280, 128>}]} {
    %get3A = arith.constant 0 : index
    %get3A_0 = arith.constant 0 : index
    %get3A_1 = vector.load %arg1[%get3A, %get3A_0] : memref<1280x128xf32, #tpu.memory_space<vmem>>, vector<1280x128xf32>
    %get3A_2 = arith.constant 0 : index
    %get3A_3 = arith.constant 0 : index
    %get3A_4 = vector.load %arg2[%get3A_2, %get3A_3] : memref<128x128xf32, #tpu.memory_space<vmem>>, vector<128x128xf32>
    %dot_general3A = arith.constant dense<0.000000e+00> : vector<1280x128xf32>
    %dot_general3A_5 = tpu.matmul %get3A_1, %get3A_4, %dot_general3A {dimension_numbers = #tpu.dot_dimension_numbers<[1], [0], [0], [1], [0, 0, 1, 1], [], []>, transpose_lhs_hint = false} : vector<1280x128xf32>, vector<128x128xf32>, vector<1280x128xf32> -> vector<1280x128xf32>
    %get3A_6 = arith.constant 0 : index
    %get3A_7 = arith.constant 0 : index
    %get3A_8 = vector.load %arg3[%get3A_6, %get3A_7] : memref<1x128xf32, #tpu.memory_space<vmem>>, vector<1x128xf32>
    %add3A = vector.broadcast %get3A_8 : vector<1x128xf32> to vector<1280x128xf32>
    %add3A_9 = arith.addf %dot_general3A_5, %add3A : vector<1280x128xf32>
    %max3A = arith.constant 0.000000e+00 : f32
    %max3A_10 = vector.broadcast %max3A : f32 to vector<1280x128xf32>
    %max3A_11 = arith.maximumf %add3A_9, %max3A_10 : vector<1280x128xf32>
    %swap3A = arith.constant 0 : index
    %swap3A_12 = arith.constant 0 : index
    %swap3A_13 = vector.load %arg4[%swap3A, %swap3A_12] : memref<1280x128xf32, #tpu.memory_space<vmem>>, vector<1280x128xf32>
    tpu.vector_store %arg4[%swap3A, %swap3A_12], %max3A_11 {strides = array<i32>} : memref<1280x128xf32, #tpu.memory_space<vmem>>, vector<1280x128xf32>,
    return
  }
  func.func @transform_0(%arg0: i32) -> (i32, i32) {
    %c0_i32 = arith.constant 0 : i32
    %c0_i32_0 = arith.constant 0 : i32
    return %arg0, %c0_i32 : i32, i32
  }
  func.func @transform_1(%arg0: i32) -> (i32, i32) {
    %c0_i32 = arith.constant 0 : i32
    %c0_i32_0 = arith.constant 0 : i32
    %c0_i32_1 = arith.constant 0 : i32
    return %c0_i32, %c0_i32_0 : i32, i32
  }
  func.func @transform_2(%arg0: i32) -> (i32, i32) {
    %c0_i32 = arith.constant 0 : i32
    %c0_i32_0 = arith.constant 0 : i32
    %c0_i32_1 = arith.constant 0 : i32
    return %c0_i32, %c0_i32_0 : i32, i32
  }
  func.func @transform_3(%arg0: i32) -> (i32, i32) {
    %c0_i32 = arith.constant 0 : i32
    %c0_i32_0 = arith.constant 0 : i32
    return %arg0, %c0_i32 : i32, i32
  }
}

module attributes {stable_mosaic.version = 14 : i64} {
  func.func @_mlp_tc(%arg0: i32, %arg1: memref<1280x128xf32, #tpu.memory_space<vmem>>, %arg2: memref<1280x128xf32, #tpu.memory_space<vmem>>, %arg3: memref<1280x128xf32, #tpu.memory_space<vmem>>, %arg4: memref<128x128xf32, #tpu.memory_space<vmem>>, %arg5: memref<1x128xf32, #tpu.memory_space<vmem>>, %arg6: memref<128x128xf32, #tpu.memory_space<vmem>>, %arg7: memref<1x128xf32, #tpu.memory_space<vmem>>, %arg8: memref<1280x128xf32, #tpu.memory_space<vmem>>) attributes {dimension_semantics = [#tpu.dimension_semantics<arbitrary>], iteration_bounds = array<i64: 8>, scalar_prefetch = 0 : i64, scratch_operands = 0 : i64, tpu.core_type = #tpu.core_type<tc>, window_params = [{transform_indices = @transform_0, window_bounds = array<i64: 1280, 128>}, {transform_indices = @transform_1, window_bounds = array<i64: 1280, 128>}, {transform_indices = @transform_2, window_bounds = array<i64: 1280, 128>}, {pipeline_mode = #tpu.pipeline_mode<synchronous>, transform_indices = @transform_3, window_bounds = array<i64: 128, 128>}, {pipeline_mode = #tpu.pipeline_mode<synchronous>, transform_indices = @transform_4, window_bounds = array<i64: 1, 128>}, {pipeline_mode = #tpu.pipeline_mode<synchronous>, transform_indices = @transform_5, window_bounds = array<i64: 128, 128>}, {pipeline_mode = #tpu.pipeline_mode<synchronous>, transform_indices = @transform_6, window_bounds = array<i64: 1, 128>}, {transform_indices = @transform_7, window_bounds = array<i64: 1280, 128>}]} {
    %get3A = arith.constant 0 : index
    %get3A_0 = arith.constant 0 : index
    %get3A_1 = vector.load %arg1[%get3A, %get3A_0] : memref<1280x128xf32, #tpu.memory_space<vmem>>, vector<1280x128xf32>
    %get3A_2 = arith.constant 0 : index
    %get3A_3 = arith.constant 0 : index
    %get3A_4 = vector.load %arg2[%get3A_2, %get3A_3] : memref<1280x128xf32, #tpu.memory_space<vmem>>, vector<1280x128xf32>
    %add3A = arith.addf %get3A_1, %get3A_4 : vector<1280x128xf32>
    %get3A_5 = arith.constant 0 : index
    %get3A_6 = arith.constant 0 : index
    %get3A_7 = vector.load %arg3[%get3A_5, %get3A_6] : memref<1280x128xf32, #tpu.memory_space<vmem>>, vector<1280x128xf32>
    %add3A_8 = arith.addf %add3A, %get3A_7 : vector<1280x128xf32>
    %get3A_9 = arith.constant 0 : index
    %get3A_10 = arith.constant 0 : index
    %get3A_11 = vector.load %arg4[%get3A_9, %get3A_10] : memref<128x128xf32, #tpu.memory_space<vmem>>, vector<128x128xf32>
    %dot_general3A = arith.constant dense<0.000000e+00> : vector<1280x128xf32>
    %dot_general3A_12 = tpu.matmul %add3A_8, %get3A_11, %dot_general3A {dimension_numbers = #tpu.dot_dimension_numbers<[1], [0], [0], [1], [0, 0, 1, 1], [], []>, transpose_lhs_hint = false} : vector<1280x128xf32>, vector<128x128xf32>, vector<1280x128xf32> -> vector<1280x128xf32>
    %get3A_13 = arith.constant 0 : index
    %get3A_14 = arith.constant 0 : index
    %get3A_15 = vector.load %arg5[%get3A_13, %get3A_14] : memref<1x128xf32, #tpu.memory_space<vmem>>, vector<1x128xf32>
    %add3A_16 = vector.broadcast %get3A_15 : vector<1x128xf32> to vector<1280x128xf32>
    %add3A_17 = arith.addf %dot_general3A_12, %add3A_16 : vector<1280x128xf32>
    %max3A = arith.constant 0.000000e+00 : f32
    %max3A_18 = vector.broadcast %max3A : f32 to vector<1280x128xf32>
    %max3A_19 = arith.maximumf %add3A_17, %max3A_18 : vector<1280x128xf32>
    %get3A_20 = arith.constant 0 : index
    %get3A_21 = arith.constant 0 : index
    %get3A_22 = vector.load %arg6[%get3A_20, %get3A_21] : memref<128x128xf32, #tpu.memory_space<vmem>>, vector<128x128xf32>
    %dot_general3A_23 = arith.constant dense<0.000000e+00> : vector<1280x128xf32>
    %dot_general3A_24 = tpu.matmul %max3A_19, %get3A_22, %dot_general3A_23 {dimension_numbers = #tpu.dot_dimension_numbers<[1], [0], [0], [1], [0, 0, 1, 1], [], []>, transpose_lhs_hint = false} : vector<1280x128xf32>, vector<128x128xf32>, vector<1280x128xf32> -> vector<1280x128xf32>
    %get3A_25 = arith.constant 0 : index
    %get3A_26 = arith.constant 0 : index
    %get3A_27 = vector.load %arg7[%get3A_25, %get3A_26] : memref<1x128xf32, #tpu.memory_space<vmem>>, vector<1x128xf32>
    %add3A_28 = vector.broadcast %get3A_27 : vector<1x128xf32> to vector<1280x128xf32>
    %add3A_29 = arith.addf %dot_general3A_24, %add3A_28 : vector<1280x128xf32>
    %max3A_30 = arith.constant 0.000000e+00 : f32
    %max3A_31 = vector.broadcast %max3A_30 : f32 to vector<1280x128xf32>
    %max3A_32 = arith.maximumf %add3A_29, %max3A_31 : vector<1280x128xf32>
    %swap3A = arith.constant 0 : index
    %swap3A_33 = arith.constant 0 : index
    %swap3A_34 = vector.load %arg8[%swap3A, %swap3A_33] : memref<1280x128xf32, #tpu.memory_space<vmem>>, vector<1280x128xf32>
    tpu.vector_store %arg8[%swap3A, %swap3A_33], %max3A_32 {strides = array<i32>} : memref<1280x128xf32, #tpu.memory_space<vmem>>, vector<1280x128xf32>,
    return
  }
  func.func @transform_0(%arg0: i32) -> (i32, i32) {
    %c0_i32 = arith.constant 0 : i32
    %c0_i32_0 = arith.constant 0 : i32
    return %arg0, %c0_i32 : i32, i32
  }
  func.func @transform_1(%arg0: i32) -> (i32, i32) {
    %c0_i32 = arith.constant 0 : i32
    %c0_i32_0 = arith.constant 0 : i32
    return %arg0, %c0_i32 : i32, i32
  }
  func.func @transform_2(%arg0: i32) -> (i32, i32) {
    %c0_i32 = arith.constant 0 : i32
    %c0_i32_0 = arith.constant 0 : i32
    return %arg0, %c0_i32 : i32, i32
  }
  func.func @transform_3(%arg0: i32) -> (i32, i32) {
    %c0_i32 = arith.constant 0 : i32
    %c0_i32_0 = arith.constant 0 : i32
    %c0_i32_1 = arith.constant 0 : i32
    return %c0_i32, %c0_i32_0 : i32, i32
  }
  func.func @transform_4(%arg0: i32) -> (i32, i32) {
    %c0_i32 = arith.constant 0 : i32
    %c0_i32_0 = arith.constant 0 : i32
    %c0_i32_1 = arith.constant 0 : i32
    return %c0_i32, %c0_i32_0 : i32, i32
  }
  func.func @transform_5(%arg0: i32) -> (i32, i32) {
    %c0_i32 = arith.constant 0 : i32
    %c0_i32_0 = arith.constant 0 : i32
    %c0_i32_1 = arith.constant 0 : i32
    return %c0_i32, %c0_i32_0 : i32, i32
  }
  func.func @transform_6(%arg0: i32) -> (i32, i32) {
    %c0_i32 = arith.constant 0 : i32
    %c0_i32_0 = arith.constant 0 : i32
    %c0_i32_1 = arith.constant 0 : i32
    return %c0_i32, %c0_i32_0 : i32, i32
  }
  func.func @transform_7(%arg0: i32) -> (i32, i32) {
    %c0_i32 = arith.constant 0 : i32
    %c0_i32_0 = arith.constant 0 : i32
    return %arg0, %c0_i32 : i32, i32
  }
}

module attributes {stable_mosaic.version = 14 : i64} {
  func.func @_final_tc(%arg0: memref<144x128xf32, #tpu.memory_space<vmem>>, %arg1: memref<144x128xf32, #tpu.memory_space<vmem>>, %arg2: memref<144x128xf32, #tpu.memory_space<vmem>>, %arg3: memref<144x128xf32, #tpu.memory_space<vmem>>, %arg4: memref<128x128xf32, #tpu.memory_space<vmem>>, %arg5: memref<1x128xf32, #tpu.memory_space<vmem>>, %arg6: memref<128x128xf32, #tpu.memory_space<vmem>>) attributes {dimension_semantics = [], scalar_prefetch = 0 : i64, scratch_operands = 0 : i64, tpu.core_type = #tpu.core_type<tc>} {
    %get3A = arith.constant 0 : index
    %get3A_0 = arith.constant 0 : index
    %get3A_1 = vector.load %arg0[%get3A, %get3A_0] : memref<144x128xf32, #tpu.memory_space<vmem>>, vector<128x128xf32>
    %get3A_2 = arith.constant 0 : index
    %get3A_3 = arith.constant 0 : index
    %get3A_4 = vector.load %arg1[%get3A_2, %get3A_3] : memref<144x128xf32, #tpu.memory_space<vmem>>, vector<128x128xf32>
    %add3A = arith.addf %get3A_1, %get3A_4 : vector<128x128xf32>
    %get3A_5 = arith.constant 0 : index
    %get3A_6 = arith.constant 0 : index
    %get3A_7 = vector.load %arg2[%get3A_5, %get3A_6] : memref<144x128xf32, #tpu.memory_space<vmem>>, vector<128x128xf32>
    %get3A_8 = arith.constant 0 : index
    %get3A_9 = arith.constant 0 : index
    %get3A_10 = vector.load %arg3[%get3A_8, %get3A_9] : memref<144x128xf32, #tpu.memory_space<vmem>>, vector<128x128xf32>
    %add3A_11 = arith.addf %get3A_7, %get3A_10 : vector<128x128xf32>
    %max3A = arith.constant 1.000000e+00 : f32
    %max3A_12 = vector.broadcast %max3A : f32 to vector<128x128xf32>
    %max3A_13 = arith.maximumf %add3A_11, %max3A_12 : vector<128x128xf32>
    %div3A = arith.divf %add3A, %max3A_13 : vector<128x128xf32>
    %get3A_14 = arith.constant 0 : index
    %get3A_15 = arith.constant 0 : index
    %get3A_16 = vector.load %arg4[%get3A_14, %get3A_15] : memref<128x128xf32, #tpu.memory_space<vmem>>, vector<128x128xf32>
    %dot_general3A = arith.constant dense<0.000000e+00> : vector<128x128xf32>
    %dot_general3A_17 = tpu.matmul %div3A, %get3A_16, %dot_general3A {dimension_numbers = #tpu.dot_dimension_numbers<[1], [0], [0], [1], [0, 0, 1, 1], [], []>, transpose_lhs_hint = false} : vector<128x128xf32>, vector<128x128xf32>, vector<128x128xf32> -> vector<128x128xf32>
    %get3A_18 = arith.constant 0 : index
    %get3A_19 = arith.constant 0 : index
    %get3A_20 = vector.load %arg5[%get3A_18, %get3A_19] : memref<1x128xf32, #tpu.memory_space<vmem>>, vector<1x128xf32>
    %add3A_21 = vector.broadcast %get3A_20 : vector<1x128xf32> to vector<128x128xf32>
    %add3A_22 = arith.addf %dot_general3A_17, %add3A_21 : vector<128x128xf32>
    %swap3A = arith.constant 0 : index
    %swap3A_23 = arith.constant 0 : index
    %swap3A_24 = vector.load %arg6[%swap3A, %swap3A_23] : memref<128x128xf32, #tpu.memory_space<vmem>>, vector<128x128xf32>
    tpu.vector_store %arg6[%swap3A, %swap3A_23], %add3A_22 {strides = array<i32>} : memref<128x128xf32, #tpu.memory_space<vmem>>, vector<128x128xf32>,
    return
  }
}

</mosaic_0001>

<sc_bundles>
// kernel: kernel.11.cloned.1.call-start
scs
__scs_entry_jumppad:
0x0: {  	(pc) =	sbr.rel $0x88, $3  }
0x1: {  	(tag) =	ssettag $0x0;
	lr =	simm.s32 $0x1  }
0x2: {  	[smem:$0x3F8E] =	sst lr;
	_ =	strace $0xD0000000  }
0x3: {  	_ = 	snop  }
0x4: {  	_ = 	snop  }
0x5: {  	_ = 	snop  }
0x6: {  	_ = 	snop  }
0x7: {  	_ = 	snop  }
__scs_overlays_trampoline_lowered:
0x8: {  	[smem:$0x3F9D] =	sst s0  }
0x9: {  	[smem:$0x3F9E] =	sst s1  }
0xa: {  	[smem:$0x3F9F] =	sst s2  }
0xb: {  	[smem:$0x3FA0] =	sst s3  }
0xc: {  	[smem:$0x3FA1] =	sst s4  }
0xd: {  	[smem:$0x3FA2] =	sst s5  }
0xe: {  	[smem:$0x3FA3] =	sst s6  }
0xf: {  	[smem:$0x3FA4] =	sst s7  }
0x10: {  	[smem:$0x3FA5] =	sst s8  }
0x11: {  	[smem:$0x3FA6] =	sst s9;
	s0 =	simm.s32 @!p0 $0x0  }
0x12: {  	s1 =	sld [smem:$0x3F8C];
	s0 =	simm.s32 @p0 $0x1  }
0x13: {  	[smem:$0x3FA7] =	sst s0;
	s0 =	simm.s32 @!p1 $0x0  }
0x14: {  	s2 =	sld [smem:$0x3F8B];
	s0 =	simm.s32 @p1 $0x1  }
0x15: {  	[smem:$0x3FA8] =	sst s0;
	s0 =	simm.s32 @!p2 $0x0  }
0x16: {  	s3 =	sld [smem:$0x3FDB];
	s0 =	simm.s32 @p2 $0x1  }
0x17: {  	s4 =	simm.s32 $0x1BF5;
	[smem:$0x3FAA] =	sst s0  }
0x18: {  	s0 =	sld [smem:$0x3F8D];
	_ =	swait.ge [sflag:s4], $0x0  }
0x19: {  	s7 =	sld [smem:$0x3F8E]  }
0x1a: {  	s8 =	sadd.s32 $0xFFFFE003, lr  }
0x1b: {  	s9 =	sadd.s32 $0xFFFFFEF7, lr;
	s5 =	simm.s32 $0xFFFFFFFF;
	p2 =	slt.u32 s8, $0xFFFFF086  }
0x1c: {  	p1 =	slt.u32 s9, $0xF7A;
	s5 =	simm.s32 @!p2 $0x0  }
0x1d: {  	s5 =	simm.s32 @p1 $0x1;
	p0 =	seq.s32 s7, s2  }
0x1e: {  	s7 =	smul.u32 @!p0 $0xF7A, s2;
	p2 =	seq.s32 @!p0 s5, $0x0  }
0x1f: {  	s9 =	smul.u32 $0xF7A, s1;
	s8 =	simm.s32 @!p0 $0x1BF5;
	p2 =	por !p2, p0  }
0x20: {  	[sflag:s8] =	ssyncset.s32 @!p0 $0xFFFFF086;
	s6 =	sadd.s32 @!p0 s3, s7;
	s7 =	simm.s32 @!p0 $0x108  }
0x21: {  	s3 =	sadd.s32 s3, s9;
	s6 =	sadd.s32 @!p0 $0x88, s6;
	s7 =	simm.s32 @p2 $0x1082  }
0x22: {  	[simem:s7], [sflag:s8] =	dma.local @!p0 [hbm:s6], $0xF7A  }
0x23: {  	s9 =	sor.u32 $0xD0000000, s2;
	s6 =	simm.s32 $0x108;
	_ =	swait.ge @!p0 [sflag:s8], $0x0  }
0x24: {  	s3 =	sadd.s32 $0x88, s3;
	s6 =	simm.s32 @!p1 $0x1082;
	[sflag:s4] =	ssyncset.s32 $0xFFFFF086  }
0x25: {  	[simem:s6], [sflag:s4] =	dma.local [hbm:s3], $0xF7A  }
0x26: {  	[smem:$0x3F8E] =	sst s1;
	(tag) =	ssettag s2;
	_ =	strace s9  }
0x27: {  	s1 =	sld [smem:$0x3F9E]  }
0x28: {  	s2 =	sld [smem:$0x3F9F]  }
0x29: {  	s4 =	sld [smem:$0x3FA1]  }
0x2a: {  	p0 =	seq.s32 s5, $0x0;
	s5 =	sld [smem:$0x3FA2]  }
0x2b: {  	s6 =	sld [smem:$0x3FA3]  }
0x2c: {  	s7 =	sld [smem:$0x3FA4]  }
0x2d: {  	s3 =	simm.s32 $0x108;
	s8 =	sld [smem:$0x3FA5]  }
0x2e: {  	s3 =	simm.s32 @!p0 $0x1082;
	s9 =	sld [smem:$0x3FA6]  }
0x2f: {  	lr =	sadd.s32 s0, s3;
	s0 =	sld [smem:$0x3F9D]  }
0x30: {  	s3 =	sld [smem:$0x3FA0]  }
0x31: {  	[smem:$0x3FA9] =	sst s10  }
0x32: {  	s10 =	sld [smem:$0x3FA7];
	_ =	sdelay $0x3  }
0x33: {  	p0 =	seq.s32 s10, $0x1;
	s10 =	sld [smem:$0x3FA9];
	_ =	sdelay $0x3  }
0x34: {  	[smem:$0x3FA9] =	sst s10  }
0x35: {  	s10 =	sld [smem:$0x3FA8];
	_ =	sdelay $0x3  }
0x36: {  	p1 =	seq.s32 s10, $0x1;
	s10 =	sld [smem:$0x3FA9];
	_ =	sdelay $0x3  }
0x37: {  	[smem:$0x3FA9] =	sst s10  }
0x38: {  	s10 =	sld [smem:$0x3FAA]  }
0x39: {  	_ = 	snop;
	(pc) =	sbr.ind lr, $3  }
0x3a: {  	_ = 	snop  }
0x3b: {  	_ = 	snop  }
0x3c: {  	p2 =	seq.s32 s10, $0x1;
	s10 =	sld [smem:$0x3FA9]  }
0x3d: {  	_ =	shalt  }
0x3e: {  	_ =	shalt  }
0x3f: {  	_ =	shalt  }
0x40: {  	_ =	shalt  }
0x41: {  	_ =	shalt  }
0x42: {  	_ =	shalt  }
0x43: {  	_ =	shalt  }
0x44: {  	_ =	shalt  }
0x45: {  	_ =	shalt  }
0x46: {  	_ =	shalt  }
0x47: {  	_ =	shalt  }
0x48: {  	_ =	shalt  }
0x49: {  	_ =	shalt  }
0x4a: {  	_ =	shalt  }
0x4b: {  	_ =	shalt  }
0x4c: {  	_ =	shalt  }
0x4d: {  	_ =	shalt  }
0x4e: {  	_ =	shalt  }
0x4f: {  	_ =	shalt  }
0x50: {  	_ =	shalt  }
0x51: {  	_ =	shalt  }
0x52: {  	_ =	shalt  }
0x53: {  	_ =	shalt  }
0x54: {  	_ =	shalt  }
0x55: {  	_ =	shalt  }
0x56: {  	_ =	shalt  }
0x57: {  	_ =	shalt  }
0x58: {  	_ =	shalt  }
0x59: {  	_ =	shalt  }
0x5a: {  	_ =	shalt  }
0x5b: {  	_ =	shalt  }
0x5c: {  	_ =	shalt  }
0x5d: {  	_ =	shalt  }
0x5e: {  	_ =	shalt  }
0x5f: {  	_ =	shalt  }
0x60: {  	_ =	shalt  }
0x61: {  	_ =	shalt  }
0x62: {  	_ =	shalt  }
0x63: {  	_ =	shalt  }
0x64: {  	_ =	shalt  }
0x65: {  	_ =	shalt  }
0x66: {  	_ =	shalt  }
0x67: {  	_ =	shalt  }
0x68: {  	_ =	shalt  }
0x69: {  	_ =	shalt  }
0x6a: {  	_ =	shalt  }
0x6b: {  	_ =	shalt  }
0x6c: {  	_ =	shalt  }
0x6d: {  	_ =	shalt  }
0x6e: {  	_ =	shalt  }
0x6f: {  	_ =	shalt  }
0x70: {  	_ =	shalt  }
0x71: {  	_ =	shalt  }
0x72: {  	_ =	shalt  }
0x73: {  	_ =	shalt  }
0x74: {  	_ =	shalt  }
0x75: {  	_ =	shalt  }
0x76: {  	_ =	shalt  }
0x77: {  	_ =	shalt  }
0x78: {  	_ =	shalt  }
0x79: {  	_ =	shalt  }
0x7a: {  	_ =	shalt  }
0x7b: {  	_ =	shalt  }
0x7c: {  	_ =	shalt  }
0x7d: {  	_ =	shalt  }
0x7e: {  	_ =	shalt  }
0x7f: {  	_ =	shalt  }
0x80: {  	_ =	shalt  }
0x81: {  	_ =	shalt  }
0x82: {  	_ =	shalt  }
0x83: {  	_ =	shalt  }
0x84: {  	_ =	shalt  }
0x85: {  	_ =	shalt  }
0x86: {  	_ =	shalt  }
0x87: {  	_ =	shalt  }
.Lfunc_end0:
.L_simem_size_0:
called_computation_lowered:
.L_overlay_start_0:
0x88: {  	s2 =	sld [smem:$0x3FD9]  }
0x89: {  	s3 =	sld [smem:$0x3FFE];
	_ =	sdelay $0x1  }
0x8a: {  	s1 =	srdreg.scid  }
0x8b: {  	s0 =	sand.u32 $0x1, s1  }
0x8c: {  	s16 =	sshll.u32 s0, $0xA;
	s2 =	sadd.s32 s3, s2  }
0x8d: {  	s2 =	sadd.s32 s2, s16  }
0x8e: {  	[smem:$0x3FB5] =	sst s2  }
0x8f: {  	_ = 	snop  }
0x90: {  	(tm) =	ssettm $0x1  }
0x91: {  	s17 =	sld [smem:$0x3FFB];
	_ =	sdelay $0x3  }
0x92: {  	_ =	strace s17  }
0x93: {  	s2 =	sld [smem:$0x3FFC];
	_ =	sdelay $0x3  }
0x94: {  	_ =	strace s2  }
0x95: {  	s2 =	sld [smem:$0x3FFD];
	_ =	sdelay $0x3  }
0x96: {  	_ =	strace s2  }
0x97: {  	_ =	strace $0x8FFFFFFF  }
0x98: {  	s18 =	sld [smem:$0x3FDB];
	_ =	sdelay $0x1  }
0x99: {  	s19 =	simm.s32 $_scs_section_size  }
0x9a: {  	s4 =	simm.s32 $_size__tile_overlayer_lowered;
	s5 =	simm.s32 $_tile_overlayer_lowered  }
0x9b: {  	s22 =	simm.s32 $0x1BFF;
	s21 =	sshll.u32 s5, $0x1;
	s2 =	sadd.s32 s19, s18  }
0x9c: {  	s6 =	simm.s32 $0x0;
	s20 =	sshll.u32 s4, $0x1;
	s4 =	sadd.s32 s21, s2  }
0x9d: {  	[timem:s6], [sflag:s22] =	dma.local [hbm:s4], s20  }
0x9e: {  	_ =	swait.ge [sflag:s22], s20  }
0x9f: {  	s3 =	ssub.s32 $0x0, s20;
	[sflag:s22] =	ssyncset.done $0x0  }
0xa0: {  	[sflag:s22] =	ssyncadd.s32 s3;
	_ =	sdelay $0x1  }
0xa1: {  	s23 =	simm.s32 $0x1B8B  }
0xa2: {  	_ =	swait.ge [sflag:s23], $0x1  }
0xa3: {  	[sflag:s23] =	ssyncset.done $0x0  }
0xa4: {  	s25 =	simm.s32 $0x1B8E;
	s24 =	sld [smem:$0x3FFE];
	[sflag:s23] =	ssyncadd.s32 $0xFFFFFFFF  }
0xa5: {  	s26 =	simm.s32 $execute0_lowered;
	[smem:$0x3FD2] =	sst s25  }
0xa6: {  	s4 =	sshll.u32 s26, $0x1;
	_ =	strace $0x80000046;
	[dreg:$0x1] =	wrdreg $0xFFFFFFFF  }
0xa7: {  	s28 =	simm.s32 $_size_execute0_lowered;
	s2 =	sadd.s32 s2, s4;
	[dreg:$0x0] =	wrdreg $0x0  }
0xa8: {  	s4 =	sshll.u32 s28, $0x1;
	[dreg:$0x2] =	wrdreg s2  }
0xa9: {  	[dreg:$0x3] =	wrdreg s4  }
0xaa: {  	[dreg:$0x4] =	wrdreg $0xC0  }
0xab: {  	_ =	task [dreg:s6], $0x5FFFF  }
0xac: {  	[dreg:$0x1] =	wrdreg $0xFFFFFFFF  }
0xad: {  	[dreg:$0x0] =	wrdreg $0x60  }
0xae: {  	[dreg:$0x2] =	wrdreg s24  }
0xaf: {  	[dreg:$0x3] =	wrdreg $0x8F800  }
0xb0: {  	[dreg:$0x4] =	wrdreg $0x9  }
0xb1: {  	_ =	task.clear_ibuf [dreg:s6], $0x5FFFF;
	_ =	strace $0x90000046  }
0xb2: {  	s29 =	simm.s32 $0x9;
	_ =	strace $0x80000048  }
0xb3: {  	_ =	swait.ge [sflag:s29], $0x1  }
0xb4: {  	[sflag:s29] =	ssyncadd.s32 $0xFFFFFFFF  }
0xb5: {  	_ =	strace $0x90000048  }
0xb6: {  	_ =	sfence  }
0xb7: {  	s30 =	sld [smem:$0x0];
	_ =	sdelay $0x2  }
0xb8: {  	s31 =	sshll.u32 s1, $0xD;
	s1 =	sshrl.u32 s1, $0x2  }
0xb9: {  	s3 =	sand.u32 $0x4000, s31;
	s1 =	sadd.s32 s1, s30  }
0xba: {  	s0 =	sor.u32 s3, s0;
	s1 =	sshll.u32 s1, $0x11  }
0xbb: {  	s0 =	sor.u32 s1, s0  }
0xbc: {  	s0 =	sadd.s32 $0x8F2B, s0  }
0xbd: {  	[sflag:s0] =	ssyncadd.remote.s32 $0x1  }
0xbe: {  	_ =	sfence.sel $0xFFFF  }
0xbf: {  	[dreg:$0x0] =	wrdreg $0xFFFFFFFF;
	(pc) =	sbr.abs _section_cstart, $3  }
0xc0: {  	[dreg:$0x1] =	wrdreg $0xFFFFFFFF  }
0xc1: {  	_ =	task.clear_ibuf [dreg:s6], $0x2FFFF;
	_ =	strace $0x9FFFFFFF  }
0xc2: {  	(tm) =	ssettm $0x7FFFFFFF  }
0xc3: {  	_ =	shalt  }
tec
execute0_lowered:
.L_overlay_start_1:
0x0: {  	(tag) =	ssettag $0x1  }
0x1: {  	s8 =	rddreg [dreg:$0x0]  }
0x2: {  	s1 =	rddreg [dreg:$0x1]  }
0x3: {  	s2 =	srdreg.scid;
	s0 =	rddreg [dreg:$0x2]  }
0x4: {  	s3 =	simm.s32 $0x0;
	s14 =	simm.s32 $0x6780;
	s15 =	simm.s32 $0x1  }
0x5: {  	s16 =	simm.s32 $0x0;
	s6 =	sand.u32 $0x1, s2;
	[smem:$0x7FF] =	sst s3  }
0x6: {  	s2 =	stileid.u32;
	s4 =	sshll.u32 s6, $0x4;
	_ =	strace $0x80000047  }
0x7: {  	s9 =	ssub.s32 $0x2, s6;
	s10 =	smul.u32 $0x50000, s2;
	p0 =	seq.s32 s6, $0x1  }
0x8: {  	s31 =	sshll.u32 s2, $0x6;
	s13 =	smul.u32 $0x2800, s2;
	s5 =	sor.u32 s2, s4  }
0x9: {  	s4 =	sadd.s32 $0x20200, s8;
	s12 =	sshrl.u32 s9, $0x1;
	s6 =	sor.u32 $0x1C02, s31  }
0xa: {  	s7 =	smul.u32 $0x4E2, s5;
	s5 =	sshll.u32 s5, $0xB;
	s9 =	ssub.s32 s9, s12  }
0xb: {  	s10 =	sshrl.u32 s10, $0x2;
	s12 =	simm.s32 $0x2;
	s11 =	sadd.s32 s5, s8  }
0xc: {  	s5 =	sadd.s32 $0x48200, s8;
	s30 =	sadd.s32 s10, s1;
	s10 =	simm.s32 $0x72A00  }
0xd: {  	s9 =	smax.u32 s9, $0x1;
	s7 =	sadd.s32 s7, s8;
	s10 =	simm.s32 @!p0 $0x4AA00  }
0xe: {  	s7 =	sadd.s32 $0x6400, s7;
	s10 =	sadd.s32 s10, s8;
	s8 =	sadd.s32 $0x10200, s11  }
0xf: {  	s11 =	sshrl.u32 s30, $0x3;
	s10 =	sadd.s32 s10, s13;
	s13 =	simm.s32 $0x50  }
.LBB2_1:
0x10: {  	[spmem:s11], [sflag:s6] =	dma.local [hbm:s5], $0x2800  }
0x11: {  	_ =	swait.ge [sflag:s12], $0x2800  }
0x12: {  	[sflag:s12] =	ssyncset.done $0x0  }
0x13: {  	[sflag:s12] =	ssyncadd.s32 $0xFFFFD800  }
0x14: {  	[tilespmem:s3], [sflag:$0x2] =	stream.linear.gather [hbm4b:s7+s3], $0x2710, $0x38;
	[tilespmem:$0x1CF80] =	vst v63  }
0x15: {  	_ =	swait.ge [sflag:s12], $0x2710  }
0x16: {  	[sflag:s12] =	ssyncset.done $0x0  }
0x17: {  	s17 =	simm.s32 $0x2780;
	[sflag:s12] =	ssyncadd.s32 $0xFFFFD8F0  }
0x18: {  	[tilespmem:s17], [sflag:$0x2] =	stream.linear.gather [hbm4b:s8+s3], $0x3E80, $0x38;
	[tilespmem:$0x1CF80] =	vst v63  }
0x19: {  	_ =	swait.ge [sflag:s12], $0x3E80  }
0x1a: {  	[sflag:s12] =	ssyncset.done $0x0  }
0x1b: {  	[sflag:s12] =	ssyncadd.s32 $0xFFFFC180  }
0x1c: {  	s18 =	simm.s32 $0x0;
	[bflag:$0x0] =	sbarrier.arrive $0xFFFF  }
0x1d: {  	[tilespmem:s14], [sflag:$0x1] =	stream.indirect.gather [hbm4b:s4+s13], $0x80, s18, s13, $0xb8;
	[tilespmem:$0x1CF80] =	vst v63  }
0x1e: {  	_ =	swait.ge [sflag:s15], $0x2800  }
0x1f: {  	[sflag:s15] =	ssyncset.done $0x0  }
0x20: {  	[sflag:s15] =	ssyncadd.s32 $0xFFFFD800  }
0x21: {  	[spmem:s1] =	stream.indirect.scatter.add.f32 [tilespmem:s14], [sflag:$0x2], $0x80, s17, s13, $0xb8;
	[tilespmem:$0x1CF80] =	vst v63  }
0x22: {  	s19 =	simm.s32 $0x280;
	_ =	swait.ge [sflag:s12], $0x2800  }
0x23: {  	s18 =	simm.s32 $0x140;
	s17 =	simm.s32 $0x2800;
	[sflag:s12] =	ssyncset.done $0x0  }
.LBB2_2:
0x24: {  	s20 =	sshra.s32 s18, $0x2  }
0x25: {  	[sflag:s12] =	ssyncadd.s32 $0xFFFFD800;
	s18 =	smov.u32 s19;
	s21 =	sadd.s32 $0x140, s19  }
0x26: {  	[tilespmem:s14], [sflag:$0x1] =	stream.indirect.gather [hbm4b:s4+s13], $0x80, s20, s13, $0xb8;
	[tilespmem:$0x1CF80] =	vst v63  }
0x27: {  	p0 =	sne.s32 s19, $0x9B00;
	_ =	swait.ge [sflag:s15], $0x2800  }
.Ltmp0:
0x28: {  	[sflag:s15] =	ssyncset.done $0x0;
	(pc) =	sbr.rel @p0 .LBB2_2-.Ltmp0, $4  }
0x29: {  	[sflag:s15] =	ssyncadd.s32 $0xFFFFD800  }
0x2a: {  	[spmem:s1] =	stream.indirect.scatter.add.f32 [tilespmem:s14], [sflag:$0x2], $0x80, s17, s13, $0xb8;
	[tilespmem:$0x1CF80] =	vst v63  }
0x2b: {  	_ =	swait.ge [sflag:s12], $0x2800  }
0x2c: {  	s19 =	smov.u32 s21;
	s17 =	sadd.s32 $0x80, s17;
	[sflag:s12] =	ssyncset.done $0x0  }
0x2d: {  	s18 =	sshra.s32 s18, $0x2;
	[sflag:s12] =	ssyncadd.s32 $0xFFFFD800  }
0x2e: {  	[tilespmem:s14], [sflag:$0x1] =	stream.indirect.gather [hbm4b:s4+s13], $0x80, s18, s13, $0xb8;
	[tilespmem:$0x1CF80] =	vst v63  }
0x2f: {  	_ =	swait.ge [sflag:s15], $0x2800  }
0x30: {  	[sflag:s15] =	ssyncset.done $0x0  }
0x31: {  	[sflag:s15] =	ssyncadd.s32 $0xFFFFD800  }
0x32: {  	[spmem:s1] =	stream.indirect.scatter.add.f32 [tilespmem:s14], [sflag:$0x2], $0x80, s17, s13, $0xb8;
	[tilespmem:$0x1CF80] =	vst v63  }
0x33: {  	_ =	swait.ge [sflag:s12], $0x2800  }
0x34: {  	s16 =	sadd.s32 $0x1, s16;
	[sflag:s12] =	ssyncset.done $0x0  }
0x35: {  	p0 =	sne.s32 s16, s9;
	[sflag:s12] =	ssyncadd.s32 $0xFFFFD800  }
.Ltmp1:
0x36: {  	[bflag:$0x0] =	sbarrier.arrive $0xFFFF;
	(pc) =	sbr.rel @p0 .LBB2_1-.Ltmp1, $4  }
0x37: {  	[hbm:s10], [sflag:s6] =	dma.local [spmem:s11], $0x2800  }
0x38: {  	_ =	swait.ge [sflag:s12], $0x2800  }
0x39: {  	[sflag:s12] =	ssyncset.done $0x0  }
0x3a: {  	[sflag:s12] =	ssyncadd.s32 $0xFFFFD800  }
0x3b: {  	_ =	sfence.sel $0x180000  }
0x3c: {  	[bflag:$0x0] =	sbarrier.arrive $0xFFFF  }
0x3d: {  	p0 =	sne.s32 s2, $0x0;
	_ =	strace $0x90000047  }
0x3e: {  	s0 =	sadd.s32 @!p0 $0x100000, s0;
	[bflag:$0x2] =	sbarrier.arrive $0xFFFF  }
0x3f: {  	[sflag:s0] =	ssyncadd.tile.s32 @!p0 $0x1;
	_ =	shalt  }
.Lfunc_end2:
_tile_overlayer_lowered:
.L_overlay_start_2:
0x40: {  	(tag) =	ssettag $0x2  }
0x41: {  	s0 =	rddreg [dreg:$0x0];
	s2 =	stileid.u32  }
0x42: {  	s1 =	rddreg [dreg:$0x1];
	p0 =	sne.s32 s2, $0x0  }
0x43: {  	s3 =	rddreg [dreg:$0x2];
	[bflag:$0x3] =	sbarrier.arrive $0xFFFF;
	s2 =	simm.s32 @!p0 $0x1C02  }
0x44: {  	[timem:s3], [sflag:s2] =	dma.local @!p0 [hbm:s0], s1  }
0x45: {  	s0 =	simm.s32 @!p0 $0x2  }
0x46: {  	_ =	swait.ge @!p0 [sflag:s0], s1  }
0x47: {  	s1 =	ssub.s32 @!p0 $0x0, s1;
	[sflag:s0] =	ssyncset.done @!p0 $0x0  }
0x48: {  	[sflag:s0] =	ssyncadd.s32 @!p0 s1  }
0x49: {  	[bflag:$0x3] =	sbarrier.arrive $0xFFFF  }
0x4a: {  	_ =	shalt  }

// kernel: kernel.14.cloned.1.call-start
scs
__scs_entry_jumppad:
0x0: {  	(pc) =	sbr.rel $0x88, $3  }
0x1: {  	(tag) =	ssettag $0x0;
	lr =	simm.s32 $0x1  }
0x2: {  	[smem:$0x3F8E] =	sst lr;
	_ =	strace $0xD0000000  }
0x3: {  	_ = 	snop  }
0x4: {  	_ = 	snop  }
0x5: {  	_ = 	snop  }
0x6: {  	_ = 	snop  }
0x7: {  	_ = 	snop  }
__scs_overlays_trampoline_lowered:
0x8: {  	[smem:$0x3F9D] =	sst s0  }
0x9: {  	[smem:$0x3F9E] =	sst s1  }
0xa: {  	[smem:$0x3F9F] =	sst s2  }
0xb: {  	[smem:$0x3FA0] =	sst s3  }
0xc: {  	[smem:$0x3FA1] =	sst s4  }
0xd: {  	[smem:$0x3FA2] =	sst s5  }
0xe: {  	[smem:$0x3FA3] =	sst s6  }
0xf: {  	[smem:$0x3FA4] =	sst s7  }
0x10: {  	[smem:$0x3FA5] =	sst s8  }
0x11: {  	[smem:$0x3FA6] =	sst s9;
	s0 =	simm.s32 @!p0 $0x0  }
0x12: {  	s1 =	sld [smem:$0x3F8C];
	s0 =	simm.s32 @p0 $0x1  }
0x13: {  	[smem:$0x3FA7] =	sst s0;
	s0 =	simm.s32 @!p1 $0x0  }
0x14: {  	s2 =	sld [smem:$0x3F8B];
	s0 =	simm.s32 @p1 $0x1  }
0x15: {  	[smem:$0x3FA8] =	sst s0;
	s0 =	simm.s32 @!p2 $0x0  }
0x16: {  	s3 =	sld [smem:$0x3FDB];
	s0 =	simm.s32 @p2 $0x1  }
0x17: {  	s4 =	simm.s32 $0x1BF5;
	[smem:$0x3FAA] =	sst s0  }
0x18: {  	s0 =	sld [smem:$0x3F8D];
	_ =	swait.ge [sflag:s4], $0x0  }
0x19: {  	s7 =	sld [smem:$0x3F8E]  }
0x1a: {  	s8 =	sadd.s32 $0xFFFFE003, lr  }
0x1b: {  	s9 =	sadd.s32 $0xFFFFFEF7, lr;
	s5 =	simm.s32 $0xFFFFFFFF;
	p2 =	slt.u32 s8, $0xFFFFF086  }
0x1c: {  	p1 =	slt.u32 s9, $0xF7A;
	s5 =	simm.s32 @!p2 $0x0  }
0x1d: {  	s5 =	simm.s32 @p1 $0x1;
	p0 =	seq.s32 s7, s2  }
0x1e: {  	s7 =	smul.u32 @!p0 $0xF7A, s2;
	p2 =	seq.s32 @!p0 s5, $0x0  }
0x1f: {  	s9 =	smul.u32 $0xF7A, s1;
	s8 =	simm.s32 @!p0 $0x1BF5;
	p2 =	por !p2, p0  }
0x20: {  	[sflag:s8] =	ssyncset.s32 @!p0 $0xFFFFF086;
	s6 =	sadd.s32 @!p0 s3, s7;
	s7 =	simm.s32 @!p0 $0x108  }
0x21: {  	s3 =	sadd.s32 s3, s9;
	s6 =	sadd.s32 @!p0 $0x88, s6;
	s7 =	simm.s32 @p2 $0x1082  }
0x22: {  	[simem:s7], [sflag:s8] =	dma.local @!p0 [hbm:s6], $0xF7A  }
0x23: {  	s9 =	sor.u32 $0xD0000000, s2;
	s6 =	simm.s32 $0x108;
	_ =	swait.ge @!p0 [sflag:s8], $0x0  }
0x24: {  	s3 =	sadd.s32 $0x88, s3;
	s6 =	simm.s32 @!p1 $0x1082;
	[sflag:s4] =	ssyncset.s32 $0xFFFFF086  }
0x25: {  	[simem:s6], [sflag:s4] =	dma.local [hbm:s3], $0xF7A  }
0x26: {  	[smem:$0x3F8E] =	sst s1;
	(tag) =	ssettag s2;
	_ =	strace s9  }
0x27: {  	s1 =	sld [smem:$0x3F9E]  }
0x28: {  	s2 =	sld [smem:$0x3F9F]  }
0x29: {  	s4 =	sld [smem:$0x3FA1]  }
0x2a: {  	p0 =	seq.s32 s5, $0x0;
	s5 =	sld [smem:$0x3FA2]  }
0x2b: {  	s6 =	sld [smem:$0x3FA3]  }
0x2c: {  	s7 =	sld [smem:$0x3FA4]  }
0x2d: {  	s3 =	simm.s32 $0x108;
	s8 =	sld [smem:$0x3FA5]  }
0x2e: {  	s3 =	simm.s32 @!p0 $0x1082;
	s9 =	sld [smem:$0x3FA6]  }
0x2f: {  	lr =	sadd.s32 s0, s3;
	s0 =	sld [smem:$0x3F9D]  }
0x30: {  	s3 =	sld [smem:$0x3FA0]  }
0x31: {  	[smem:$0x3FA9] =	sst s10  }
0x32: {  	s10 =	sld [smem:$0x3FA7];
	_ =	sdelay $0x3  }
0x33: {  	p0 =	seq.s32 s10, $0x1;
	s10 =	sld [smem:$0x3FA9];
	_ =	sdelay $0x3  }
0x34: {  	[smem:$0x3FA9] =	sst s10  }
0x35: {  	s10 =	sld [smem:$0x3FA8];
	_ =	sdelay $0x3  }
0x36: {  	p1 =	seq.s32 s10, $0x1;
	s10 =	sld [smem:$0x3FA9];
	_ =	sdelay $0x3  }
0x37: {  	[smem:$0x3FA9] =	sst s10  }
0x38: {  	s10 =	sld [smem:$0x3FAA]  }
0x39: {  	_ = 	snop;
	(pc) =	sbr.ind lr, $3  }
0x3a: {  	_ = 	snop  }
0x3b: {  	_ = 	snop  }
0x3c: {  	p2 =	seq.s32 s10, $0x1;
	s10 =	sld [smem:$0x3FA9]  }
0x3d: {  	_ =	shalt  }
0x3e: {  	_ =	shalt  }
0x3f: {  	_ =	shalt  }
0x40: {  	_ =	shalt  }
0x41: {  	_ =	shalt  }
0x42: {  	_ =	shalt  }
0x43: {  	_ =	shalt  }
0x44: {  	_ =	shalt  }
0x45: {  	_ =	shalt  }
0x46: {  	_ =	shalt  }
0x47: {  	_ =	shalt  }
0x48: {  	_ =	shalt  }
0x49: {  	_ =	shalt  }
0x4a: {  	_ =	shalt  }
0x4b: {  	_ =	shalt  }
0x4c: {  	_ =	shalt  }
0x4d: {  	_ =	shalt  }
0x4e: {  	_ =	shalt  }
0x4f: {  	_ =	shalt  }
0x50: {  	_ =	shalt  }
0x51: {  	_ =	shalt  }
0x52: {  	_ =	shalt  }
0x53: {  	_ =	shalt  }
0x54: {  	_ =	shalt  }
0x55: {  	_ =	shalt  }
0x56: {  	_ =	shalt  }
0x57: {  	_ =	shalt  }
0x58: {  	_ =	shalt  }
0x59: {  	_ =	shalt  }
0x5a: {  	_ =	shalt  }
0x5b: {  	_ =	shalt  }
0x5c: {  	_ =	shalt  }
0x5d: {  	_ =	shalt  }
0x5e: {  	_ =	shalt  }
0x5f: {  	_ =	shalt  }
0x60: {  	_ =	shalt  }
0x61: {  	_ =	shalt  }
0x62: {  	_ =	shalt  }
0x63: {  	_ =	shalt  }
0x64: {  	_ =	shalt  }
0x65: {  	_ =	shalt  }
0x66: {  	_ =	shalt  }
0x67: {  	_ =	shalt  }
0x68: {  	_ =	shalt  }
0x69: {  	_ =	shalt  }
0x6a: {  	_ =	shalt  }
0x6b: {  	_ =	shalt  }
0x6c: {  	_ =	shalt  }
0x6d: {  	_ =	shalt  }
0x6e: {  	_ =	shalt  }
0x6f: {  	_ =	shalt  }
0x70: {  	_ =	shalt  }
0x71: {  	_ =	shalt  }
0x72: {  	_ =	shalt  }
0x73: {  	_ =	shalt  }
0x74: {  	_ =	shalt  }
0x75: {  	_ =	shalt  }
0x76: {  	_ =	shalt  }
0x77: {  	_ =	shalt  }
0x78: {  	_ =	shalt  }
0x79: {  	_ =	shalt  }
0x7a: {  	_ =	shalt  }
0x7b: {  	_ =	shalt  }
0x7c: {  	_ =	shalt  }
0x7d: {  	_ =	shalt  }
0x7e: {  	_ =	shalt  }
0x7f: {  	_ =	shalt  }
0x80: {  	_ =	shalt  }
0x81: {  	_ =	shalt  }
0x82: {  	_ =	shalt  }
0x83: {  	_ =	shalt  }
0x84: {  	_ =	shalt  }
0x85: {  	_ =	shalt  }
0x86: {  	_ =	shalt  }
0x87: {  	_ =	shalt  }
.Lfunc_end0:
.L_simem_size_0:
called_computation.1_lowered:
.L_overlay_start_0:
0x88: {  	s2 =	sld [smem:$0x3FD9]  }
0x89: {  	s3 =	sld [smem:$0x3FFE];
	_ =	sdelay $0x1  }
0x8a: {  	s1 =	srdreg.scid  }
0x8b: {  	s0 =	sand.u32 $0x1, s1  }
0x8c: {  	s16 =	sshll.u32 s0, $0xA;
	s2 =	sadd.s32 s3, s2  }
0x8d: {  	s2 =	sadd.s32 s2, s16  }
0x8e: {  	[smem:$0x3FB5] =	sst s2  }
0x8f: {  	_ = 	snop  }
0x90: {  	(tm) =	ssettm $0x1  }
0x91: {  	s17 =	sld [smem:$0x3FFB];
	_ =	sdelay $0x3  }
0x92: {  	_ =	strace s17  }
0x93: {  	s2 =	sld [smem:$0x3FFC];
	_ =	sdelay $0x3  }
0x94: {  	_ =	strace s2  }
0x95: {  	s2 =	sld [smem:$0x3FFD];
	_ =	sdelay $0x3  }
0x96: {  	_ =	strace s2  }
0x97: {  	_ =	strace $0x8FFFFFFF  }
0x98: {  	s18 =	sld [smem:$0x3FDB];
	_ =	sdelay $0x1  }
0x99: {  	s19 =	simm.s32 $_scs_section_size  }
0x9a: {  	s4 =	simm.s32 $_size__tile_overlayer_lowered;
	s5 =	simm.s32 $_tile_overlayer_lowered  }
0x9b: {  	s22 =	simm.s32 $0x1BFF;
	s21 =	sshll.u32 s5, $0x1;
	s2 =	sadd.s32 s19, s18  }
0x9c: {  	s6 =	simm.s32 $0x0;
	s20 =	sshll.u32 s4, $0x1;
	s4 =	sadd.s32 s21, s2  }
0x9d: {  	[timem:s6], [sflag:s22] =	dma.local [hbm:s4], s20  }
0x9e: {  	_ =	swait.ge [sflag:s22], s20  }
0x9f: {  	s3 =	ssub.s32 $0x0, s20;
	[sflag:s22] =	ssyncset.done $0x0  }
0xa0: {  	[sflag:s22] =	ssyncadd.s32 s3;
	_ =	sdelay $0x1  }
0xa1: {  	s23 =	simm.s32 $0x1B8B  }
0xa2: {  	_ =	swait.ge [sflag:s23], $0x1  }
0xa3: {  	[sflag:s23] =	ssyncset.done $0x0  }
0xa4: {  	s25 =	simm.s32 $0x1B8E;
	s24 =	sld [smem:$0x3FFE];
	[sflag:s23] =	ssyncadd.s32 $0xFFFFFFFF  }
0xa5: {  	s26 =	simm.s32 $execute0_lowered;
	[smem:$0x3FD2] =	sst s25  }
0xa6: {  	s4 =	sshll.u32 s26, $0x1;
	_ =	strace $0x80000049;
	[dreg:$0x1] =	wrdreg $0xFFFFFFFF  }
0xa7: {  	s28 =	simm.s32 $_size_execute0_lowered;
	s2 =	sadd.s32 s2, s4;
	[dreg:$0x0] =	wrdreg $0x0  }
0xa8: {  	s4 =	sshll.u32 s28, $0x1;
	[dreg:$0x2] =	wrdreg s2  }
0xa9: {  	[dreg:$0x3] =	wrdreg s4  }
0xaa: {  	[dreg:$0x4] =	wrdreg $0xC0  }
0xab: {  	_ =	task [dreg:s6], $0x5FFFF  }
0xac: {  	[dreg:$0x1] =	wrdreg $0xFFFFFFFF  }
0xad: {  	[dreg:$0x0] =	wrdreg $0x60  }
0xae: {  	[dreg:$0x2] =	wrdreg s24  }
0xaf: {  	[dreg:$0x3] =	wrdreg $0x8F800  }
0xb0: {  	[dreg:$0x4] =	wrdreg $0x9  }
0xb1: {  	_ =	task.clear_ibuf [dreg:s6], $0x5FFFF;
	_ =	strace $0x90000049  }
0xb2: {  	s29 =	simm.s32 $0x9;
	_ =	strace $0x8000004B  }
0xb3: {  	_ =	swait.ge [sflag:s29], $0x1  }
0xb4: {  	[sflag:s29] =	ssyncadd.s32 $0xFFFFFFFF  }
0xb5: {  	_ =	strace $0x9000004B  }
0xb6: {  	_ =	sfence  }
0xb7: {  	s30 =	sld [smem:$0x0];
	_ =	sdelay $0x2  }
0xb8: {  	s31 =	sshll.u32 s1, $0xD;
	s1 =	sshrl.u32 s1, $0x2  }
0xb9: {  	s3 =	sand.u32 $0x4000, s31;
	s1 =	sadd.s32 s1, s30  }
0xba: {  	s0 =	sor.u32 s3, s0;
	s1 =	sshll.u32 s1, $0x11  }
0xbb: {  	s0 =	sor.u32 s1, s0  }
0xbc: {  	s0 =	sadd.s32 $0x8F2B, s0  }
0xbd: {  	[sflag:s0] =	ssyncadd.remote.s32 $0x1  }
0xbe: {  	_ =	sfence.sel $0xFFFF  }
0xbf: {  	[dreg:$0x0] =	wrdreg $0xFFFFFFFF;
	(pc) =	sbr.abs _section_cstart, $3  }
0xc0: {  	[dreg:$0x1] =	wrdreg $0xFFFFFFFF  }
0xc1: {  	_ =	task.clear_ibuf [dreg:s6], $0x2FFFF;
	_ =	strace $0x9FFFFFFF  }
0xc2: {  	(tm) =	ssettm $0x7FFFFFFF  }
0xc3: {  	_ =	shalt  }
tec
execute0_lowered:
.L_overlay_start_1:
0x0: {  	(tag) =	ssettag $0x1  }
0x1: {  	s8 =	rddreg [dreg:$0x0]  }
0x2: {  	s1 =	rddreg [dreg:$0x1]  }
0x3: {  	s2 =	srdreg.scid;
	s0 =	rddreg [dreg:$0x2]  }
0x4: {  	s3 =	simm.s32 $0x0;
	s14 =	simm.s32 $0x6780;
	s15 =	simm.s32 $0x1  }
0x5: {  	s16 =	simm.s32 $0x0;
	s6 =	sand.u32 $0x1, s2;
	[smem:$0x7FF] =	sst s3  }
0x6: {  	s2 =	stileid.u32;
	s4 =	sshll.u32 s6, $0x4;
	_ =	strace $0x8000004A  }
0x7: {  	s9 =	ssub.s32 $0x2, s6;
	s10 =	smul.u32 $0x50000, s2;
	p0 =	seq.s32 s6, $0x1  }
0x8: {  	s31 =	sshll.u32 s2, $0x6;
	s13 =	smul.u32 $0x2800, s2;
	s5 =	sor.u32 s2, s4  }
0x9: {  	s4 =	sadd.s32 $0x20200, s8;
	s12 =	sshrl.u32 s9, $0x1;
	s6 =	sor.u32 $0x1C02, s31  }
0xa: {  	s7 =	smul.u32 $0x4E2, s5;
	s5 =	sshll.u32 s5, $0xB;
	s9 =	ssub.s32 s9, s12  }
0xb: {  	s10 =	sshrl.u32 s10, $0x2;
	s12 =	simm.s32 $0x2;
	s11 =	sadd.s32 s5, s8  }
0xc: {  	s5 =	sadd.s32 $0x48200, s8;
	s30 =	sadd.s32 s10, s1;
	s10 =	simm.s32 $0x72A00  }
0xd: {  	s9 =	smax.u32 s9, $0x1;
	s7 =	sadd.s32 s7, s8;
	s10 =	simm.s32 @!p0 $0x4AA00  }
0xe: {  	s7 =	sadd.s32 $0x6400, s7;
	s10 =	sadd.s32 s10, s8;
	s8 =	sadd.s32 $0x10200, s11  }
0xf: {  	s11 =	sshrl.u32 s30, $0x3;
	s10 =	sadd.s32 s10, s13;
	s13 =	simm.s32 $0x50  }
.LBB2_1:
0x10: {  	[spmem:s11], [sflag:s6] =	dma.local [hbm:s5], $0x2800  }
0x11: {  	_ =	swait.ge [sflag:s12], $0x2800  }
0x12: {  	[sflag:s12] =	ssyncset.done $0x0  }
0x13: {  	[sflag:s12] =	ssyncadd.s32 $0xFFFFD800  }
0x14: {  	[tilespmem:s3], [sflag:$0x2] =	stream.linear.gather [hbm4b:s7+s3], $0x2710, $0x38;
	[tilespmem:$0x1CF80] =	vst v63  }
0x15: {  	_ =	swait.ge [sflag:s12], $0x2710  }
0x16: {  	[sflag:s12] =	ssyncset.done $0x0  }
0x17: {  	s17 =	simm.s32 $0x2780;
	[sflag:s12] =	ssyncadd.s32 $0xFFFFD8F0  }
0x18: {  	[tilespmem:s17], [sflag:$0x2] =	stream.linear.gather [hbm4b:s8+s3], $0x3E80, $0x38;
	[tilespmem:$0x1CF80] =	vst v63  }
0x19: {  	_ =	swait.ge [sflag:s12], $0x3E80  }
0x1a: {  	[sflag:s12] =	ssyncset.done $0x0  }
0x1b: {  	[sflag:s12] =	ssyncadd.s32 $0xFFFFC180  }
0x1c: {  	s18 =	simm.s32 $0x0;
	[bflag:$0x0] =	sbarrier.arrive $0xFFFF  }
0x1d: {  	[tilespmem:s14], [sflag:$0x1] =	stream.indirect.gather [hbm4b:s4+s13], $0x80, s18, s13, $0xb8;
	[tilespmem:$0x1CF80] =	vst v63  }
0x1e: {  	_ =	swait.ge [sflag:s15], $0x2800  }
0x1f: {  	[sflag:s15] =	ssyncset.done $0x0  }
0x20: {  	[sflag:s15] =	ssyncadd.s32 $0xFFFFD800  }
0x21: {  	[spmem:s1] =	stream.indirect.scatter.add.f32 [tilespmem:s14], [sflag:$0x2], $0x80, s17, s13, $0xb8;
	[tilespmem:$0x1CF80] =	vst v63  }
0x22: {  	s19 =	simm.s32 $0x280;
	_ =	swait.ge [sflag:s12], $0x2800  }
0x23: {  	s18 =	simm.s32 $0x140;
	s17 =	simm.s32 $0x2800;
	[sflag:s12] =	ssyncset.done $0x0  }
.LBB2_2:
0x24: {  	s20 =	sshra.s32 s18, $0x2  }
0x25: {  	[sflag:s12] =	ssyncadd.s32 $0xFFFFD800;
	s18 =	smov.u32 s19;
	s21 =	sadd.s32 $0x140, s19  }
0x26: {  	[tilespmem:s14], [sflag:$0x1] =	stream.indirect.gather [hbm4b:s4+s13], $0x80, s20, s13, $0xb8;
	[tilespmem:$0x1CF80] =	vst v63  }
0x27: {  	p0 =	sne.s32 s19, $0x9B00;
	_ =	swait.ge [sflag:s15], $0x2800  }
.Ltmp0:
0x28: {  	[sflag:s15] =	ssyncset.done $0x0;
	(pc) =	sbr.rel @p0 .LBB2_2-.Ltmp0, $4  }
0x29: {  	[sflag:s15] =	ssyncadd.s32 $0xFFFFD800  }
0x2a: {  	[spmem:s1] =	stream.indirect.scatter.add.f32 [tilespmem:s14], [sflag:$0x2], $0x80, s17, s13, $0xb8;
	[tilespmem:$0x1CF80] =	vst v63  }
0x2b: {  	_ =	swait.ge [sflag:s12], $0x2800  }
0x2c: {  	s19 =	smov.u32 s21;
	s17 =	sadd.s32 $0x80, s17;
	[sflag:s12] =	ssyncset.done $0x0  }
0x2d: {  	s18 =	sshra.s32 s18, $0x2;
	[sflag:s12] =	ssyncadd.s32 $0xFFFFD800  }
0x2e: {  	[tilespmem:s14], [sflag:$0x1] =	stream.indirect.gather [hbm4b:s4+s13], $0x80, s18, s13, $0xb8;
	[tilespmem:$0x1CF80] =	vst v63  }
0x2f: {  	_ =	swait.ge [sflag:s15], $0x2800  }
0x30: {  	[sflag:s15] =	ssyncset.done $0x0  }
0x31: {  	[sflag:s15] =	ssyncadd.s32 $0xFFFFD800  }
0x32: {  	[spmem:s1] =	stream.indirect.scatter.add.f32 [tilespmem:s14], [sflag:$0x2], $0x80, s17, s13, $0xb8;
	[tilespmem:$0x1CF80] =	vst v63  }
0x33: {  	_ =	swait.ge [sflag:s12], $0x2800  }
0x34: {  	s16 =	sadd.s32 $0x1, s16;
	[sflag:s12] =	ssyncset.done $0x0  }
0x35: {  	p0 =	sne.s32 s16, s9;
	[sflag:s12] =	ssyncadd.s32 $0xFFFFD800  }
.Ltmp1:
0x36: {  	[bflag:$0x0] =	sbarrier.arrive $0xFFFF;
	(pc) =	sbr.rel @p0 .LBB2_1-.Ltmp1, $4  }
0x37: {  	[hbm:s10], [sflag:s6] =	dma.local [spmem:s11], $0x2800  }
0x38: {  	_ =	swait.ge [sflag:s12], $0x2800  }
0x39: {  	[sflag:s12] =	ssyncset.done $0x0  }
0x3a: {  	[sflag:s12] =	ssyncadd.s32 $0xFFFFD800  }
0x3b: {  	_ =	sfence.sel $0x180000  }
0x3c: {  	[bflag:$0x0] =	sbarrier.arrive $0xFFFF  }
0x3d: {  	p0 =	sne.s32 s2, $0x0;
	_ =	strace $0x9000004A  }
0x3e: {  	s0 =	sadd.s32 @!p0 $0x100000, s0;
	[bflag:$0x2] =	sbarrier.arrive $0xFFFF  }
0x3f: {  	[sflag:s0] =	ssyncadd.tile.s32 @!p0 $0x1;
	_ =	shalt  }
.Lfunc_end2:
_tile_overlayer_lowered:
.L_overlay_start_2:
0x40: {  	(tag) =	ssettag $0x2  }
0x41: {  	s0 =	rddreg [dreg:$0x0];
	s2 =	stileid.u32  }
0x42: {  	s1 =	rddreg [dreg:$0x1];
	p0 =	sne.s32 s2, $0x0  }
0x43: {  	s3 =	rddreg [dreg:$0x2];
	[bflag:$0x3] =	sbarrier.arrive $0xFFFF;
	s2 =	simm.s32 @!p0 $0x1C02  }
0x44: {  	[timem:s3], [sflag:s2] =	dma.local @!p0 [hbm:s0], s1  }
0x45: {  	s0 =	simm.s32 @!p0 $0x2  }
0x46: {  	_ =	swait.ge @!p0 [sflag:s0], s1  }
0x47: {  	s1 =	ssub.s32 @!p0 $0x0, s1;
	[sflag:s0] =	ssyncset.done @!p0 $0x0  }
0x48: {  	[sflag:s0] =	ssyncadd.s32 @!p0 s1  }
0x49: {  	[bflag:$0x3] =	sbarrier.arrive $0xFFFF  }
0x4a: {  	_ =	shalt  }

// kernel: kernel.17.cloned.1.call-start
scs
__scs_entry_jumppad:
0x0: {  	(pc) =	sbr.rel $0x88, $3  }
0x1: {  	(tag) =	ssettag $0x0;
	lr =	simm.s32 $0x1  }
0x2: {  	[smem:$0x3F8E] =	sst lr;
	_ =	strace $0xD0000000  }
0x3: {  	_ = 	snop  }
0x4: {  	_ = 	snop  }
0x5: {  	_ = 	snop  }
0x6: {  	_ = 	snop  }
0x7: {  	_ = 	snop  }
__scs_overlays_trampoline_lowered:
0x8: {  	[smem:$0x3F9D] =	sst s0  }
0x9: {  	[smem:$0x3F9E] =	sst s1  }
0xa: {  	[smem:$0x3F9F] =	sst s2  }
0xb: {  	[smem:$0x3FA0] =	sst s3  }
0xc: {  	[smem:$0x3FA1] =	sst s4  }
0xd: {  	[smem:$0x3FA2] =	sst s5  }
0xe: {  	[smem:$0x3FA3] =	sst s6  }
0xf: {  	[smem:$0x3FA4] =	sst s7  }
0x10: {  	[smem:$0x3FA5] =	sst s8  }
0x11: {  	[smem:$0x3FA6] =	sst s9;
	s0 =	simm.s32 @!p0 $0x0  }
0x12: {  	s1 =	sld [smem:$0x3F8C];
	s0 =	simm.s32 @p0 $0x1  }
0x13: {  	[smem:$0x3FA7] =	sst s0;
	s0 =	simm.s32 @!p1 $0x0  }
0x14: {  	s2 =	sld [smem:$0x3F8B];
	s0 =	simm.s32 @p1 $0x1  }
0x15: {  	[smem:$0x3FA8] =	sst s0;
	s0 =	simm.s32 @!p2 $0x0  }
0x16: {  	s3 =	sld [smem:$0x3FDB];
	s0 =	simm.s32 @p2 $0x1  }
0x17: {  	s4 =	simm.s32 $0x1BF5;
	[smem:$0x3FAA] =	sst s0  }
0x18: {  	s0 =	sld [smem:$0x3F8D];
	_ =	swait.ge [sflag:s4], $0x0  }
0x19: {  	s7 =	sld [smem:$0x3F8E]  }
0x1a: {  	s8 =	sadd.s32 $0xFFFFE003, lr  }
0x1b: {  	s9 =	sadd.s32 $0xFFFFFEF7, lr;
	s5 =	simm.s32 $0xFFFFFFFF;
	p2 =	slt.u32 s8, $0xFFFFF086  }
0x1c: {  	p1 =	slt.u32 s9, $0xF7A;
	s5 =	simm.s32 @!p2 $0x0  }
0x1d: {  	s5 =	simm.s32 @p1 $0x1;
	p0 =	seq.s32 s7, s2  }
0x1e: {  	s7 =	smul.u32 @!p0 $0xF7A, s2;
	p2 =	seq.s32 @!p0 s5, $0x0  }
0x1f: {  	s9 =	smul.u32 $0xF7A, s1;
	s8 =	simm.s32 @!p0 $0x1BF5;
	p2 =	por !p2, p0  }
0x20: {  	[sflag:s8] =	ssyncset.s32 @!p0 $0xFFFFF086;
	s6 =	sadd.s32 @!p0 s3, s7;
	s7 =	simm.s32 @!p0 $0x108  }
0x21: {  	s3 =	sadd.s32 s3, s9;
	s6 =	sadd.s32 @!p0 $0x88, s6;
	s7 =	simm.s32 @p2 $0x1082  }
0x22: {  	[simem:s7], [sflag:s8] =	dma.local @!p0 [hbm:s6], $0xF7A  }
0x23: {  	s9 =	sor.u32 $0xD0000000, s2;
	s6 =	simm.s32 $0x108;
	_ =	swait.ge @!p0 [sflag:s8], $0x0  }
0x24: {  	s3 =	sadd.s32 $0x88, s3;
	s6 =	simm.s32 @!p1 $0x1082;
	[sflag:s4] =	ssyncset.s32 $0xFFFFF086  }
0x25: {  	[simem:s6], [sflag:s4] =	dma.local [hbm:s3], $0xF7A  }
0x26: {  	[smem:$0x3F8E] =	sst s1;
	(tag) =	ssettag s2;
	_ =	strace s9  }
0x27: {  	s1 =	sld [smem:$0x3F9E]  }
0x28: {  	s2 =	sld [smem:$0x3F9F]  }
0x29: {  	s4 =	sld [smem:$0x3FA1]  }
0x2a: {  	p0 =	seq.s32 s5, $0x0;
	s5 =	sld [smem:$0x3FA2]  }
0x2b: {  	s6 =	sld [smem:$0x3FA3]  }
0x2c: {  	s7 =	sld [smem:$0x3FA4]  }
0x2d: {  	s3 =	simm.s32 $0x108;
	s8 =	sld [smem:$0x3FA5]  }
0x2e: {  	s3 =	simm.s32 @!p0 $0x1082;
	s9 =	sld [smem:$0x3FA6]  }
0x2f: {  	lr =	sadd.s32 s0, s3;
	s0 =	sld [smem:$0x3F9D]  }
0x30: {  	s3 =	sld [smem:$0x3FA0]  }
0x31: {  	[smem:$0x3FA9] =	sst s10  }
0x32: {  	s10 =	sld [smem:$0x3FA7];
	_ =	sdelay $0x3  }
0x33: {  	p0 =	seq.s32 s10, $0x1;
	s10 =	sld [smem:$0x3FA9];
	_ =	sdelay $0x3  }
0x34: {  	[smem:$0x3FA9] =	sst s10  }
0x35: {  	s10 =	sld [smem:$0x3FA8];
	_ =	sdelay $0x3  }
0x36: {  	p1 =	seq.s32 s10, $0x1;
	s10 =	sld [smem:$0x3FA9];
	_ =	sdelay $0x3  }
0x37: {  	[smem:$0x3FA9] =	sst s10  }
0x38: {  	s10 =	sld [smem:$0x3FAA]  }
0x39: {  	_ = 	snop;
	(pc) =	sbr.ind lr, $3  }
0x3a: {  	_ = 	snop  }
0x3b: {  	_ = 	snop  }
0x3c: {  	p2 =	seq.s32 s10, $0x1;
	s10 =	sld [smem:$0x3FA9]  }
0x3d: {  	_ =	shalt  }
0x3e: {  	_ =	shalt  }
0x3f: {  	_ =	shalt  }
0x40: {  	_ =	shalt  }
0x41: {  	_ =	shalt  }
0x42: {  	_ =	shalt  }
0x43: {  	_ =	shalt  }
0x44: {  	_ =	shalt  }
0x45: {  	_ =	shalt  }
0x46: {  	_ =	shalt  }
0x47: {  	_ =	shalt  }
0x48: {  	_ =	shalt  }
0x49: {  	_ =	shalt  }
0x4a: {  	_ =	shalt  }
0x4b: {  	_ =	shalt  }
0x4c: {  	_ =	shalt  }
0x4d: {  	_ =	shalt  }
0x4e: {  	_ =	shalt  }
0x4f: {  	_ =	shalt  }
0x50: {  	_ =	shalt  }
0x51: {  	_ =	shalt  }
0x52: {  	_ =	shalt  }
0x53: {  	_ =	shalt  }
0x54: {  	_ =	shalt  }
0x55: {  	_ =	shalt  }
0x56: {  	_ =	shalt  }
0x57: {  	_ =	shalt  }
0x58: {  	_ =	shalt  }
0x59: {  	_ =	shalt  }
0x5a: {  	_ =	shalt  }
0x5b: {  	_ =	shalt  }
0x5c: {  	_ =	shalt  }
0x5d: {  	_ =	shalt  }
0x5e: {  	_ =	shalt  }
0x5f: {  	_ =	shalt  }
0x60: {  	_ =	shalt  }
0x61: {  	_ =	shalt  }
0x62: {  	_ =	shalt  }
0x63: {  	_ =	shalt  }
0x64: {  	_ =	shalt  }
0x65: {  	_ =	shalt  }
0x66: {  	_ =	shalt  }
0x67: {  	_ =	shalt  }
0x68: {  	_ =	shalt  }
0x69: {  	_ =	shalt  }
0x6a: {  	_ =	shalt  }
0x6b: {  	_ =	shalt  }
0x6c: {  	_ =	shalt  }
0x6d: {  	_ =	shalt  }
0x6e: {  	_ =	shalt  }
0x6f: {  	_ =	shalt  }
0x70: {  	_ =	shalt  }
0x71: {  	_ =	shalt  }
0x72: {  	_ =	shalt  }
0x73: {  	_ =	shalt  }
0x74: {  	_ =	shalt  }
0x75: {  	_ =	shalt  }
0x76: {  	_ =	shalt  }
0x77: {  	_ =	shalt  }
0x78: {  	_ =	shalt  }
0x79: {  	_ =	shalt  }
0x7a: {  	_ =	shalt  }
0x7b: {  	_ =	shalt  }
0x7c: {  	_ =	shalt  }
0x7d: {  	_ =	shalt  }
0x7e: {  	_ =	shalt  }
0x7f: {  	_ =	shalt  }
0x80: {  	_ =	shalt  }
0x81: {  	_ =	shalt  }
0x82: {  	_ =	shalt  }
0x83: {  	_ =	shalt  }
0x84: {  	_ =	shalt  }
0x85: {  	_ =	shalt  }
0x86: {  	_ =	shalt  }
0x87: {  	_ =	shalt  }
.Lfunc_end0:
.L_simem_size_0:
called_computation.2_lowered:
.L_overlay_start_0:
0x88: {  	s2 =	sld [smem:$0x3FD9]  }
0x89: {  	s3 =	sld [smem:$0x3FFE];
	_ =	sdelay $0x1  }
0x8a: {  	s1 =	srdreg.scid  }
0x8b: {  	s0 =	sand.u32 $0x1, s1  }
0x8c: {  	s16 =	sshll.u32 s0, $0xA;
	s2 =	sadd.s32 s3, s2  }
0x8d: {  	s2 =	sadd.s32 s2, s16  }
0x8e: {  	[smem:$0x3FB5] =	sst s2  }
0x8f: {  	_ = 	snop  }
0x90: {  	(tm) =	ssettm $0x1  }
0x91: {  	s17 =	sld [smem:$0x3FFB];
	_ =	sdelay $0x3  }
0x92: {  	_ =	strace s17  }
0x93: {  	s2 =	sld [smem:$0x3FFC];
	_ =	sdelay $0x3  }
0x94: {  	_ =	strace s2  }
0x95: {  	s2 =	sld [smem:$0x3FFD];
	_ =	sdelay $0x3  }
0x96: {  	_ =	strace s2  }
0x97: {  	_ =	strace $0x8FFFFFFF  }
0x98: {  	s18 =	sld [smem:$0x3FDB];
	_ =	sdelay $0x1  }
0x99: {  	s19 =	simm.s32 $_scs_section_size  }
0x9a: {  	s4 =	simm.s32 $_size__tile_overlayer_lowered;
	s5 =	simm.s32 $_tile_overlayer_lowered  }
0x9b: {  	s22 =	simm.s32 $0x1BFF;
	s21 =	sshll.u32 s5, $0x1;
	s2 =	sadd.s32 s19, s18  }
0x9c: {  	s6 =	simm.s32 $0x0;
	s20 =	sshll.u32 s4, $0x1;
	s4 =	sadd.s32 s21, s2  }
0x9d: {  	[timem:s6], [sflag:s22] =	dma.local [hbm:s4], s20  }
0x9e: {  	_ =	swait.ge [sflag:s22], s20  }
0x9f: {  	s3 =	ssub.s32 $0x0, s20;
	[sflag:s22] =	ssyncset.done $0x0  }
0xa0: {  	[sflag:s22] =	ssyncadd.s32 s3;
	_ =	sdelay $0x1  }
0xa1: {  	s23 =	simm.s32 $0x1B8B  }
0xa2: {  	_ =	swait.ge [sflag:s23], $0x1  }
0xa3: {  	[sflag:s23] =	ssyncset.done $0x0  }
0xa4: {  	s25 =	simm.s32 $0x1B8E;
	s24 =	sld [smem:$0x3FFE];
	[sflag:s23] =	ssyncadd.s32 $0xFFFFFFFF  }
0xa5: {  	s26 =	simm.s32 $execute0_lowered;
	[smem:$0x3FD2] =	sst s25  }
0xa6: {  	s4 =	sshll.u32 s26, $0x1;
	_ =	strace $0x8000004C;
	[dreg:$0x1] =	wrdreg $0xFFFFFFFF  }
0xa7: {  	s28 =	simm.s32 $_size_execute0_lowered;
	s2 =	sadd.s32 s2, s4;
	[dreg:$0x0] =	wrdreg $0x0  }
0xa8: {  	s4 =	sshll.u32 s28, $0x1;
	[dreg:$0x2] =	wrdreg s2  }
0xa9: {  	[dreg:$0x3] =	wrdreg s4  }
0xaa: {  	[dreg:$0x4] =	wrdreg $0xC0  }
0xab: {  	_ =	task [dreg:s6], $0x5FFFF  }
0xac: {  	[dreg:$0x1] =	wrdreg $0xFFFFFFFF  }
0xad: {  	[dreg:$0x0] =	wrdreg $0x60  }
0xae: {  	[dreg:$0x2] =	wrdreg s24  }
0xaf: {  	[dreg:$0x3] =	wrdreg $0x8F800  }
0xb0: {  	[dreg:$0x4] =	wrdreg $0x9  }
0xb1: {  	_ =	task.clear_ibuf [dreg:s6], $0x5FFFF;
	_ =	strace $0x9000004C  }
0xb2: {  	s29 =	simm.s32 $0x9;
	_ =	strace $0x8000004E  }
0xb3: {  	_ =	swait.ge [sflag:s29], $0x1  }
0xb4: {  	[sflag:s29] =	ssyncadd.s32 $0xFFFFFFFF  }
0xb5: {  	_ =	strace $0x9000004E  }
0xb6: {  	_ =	sfence  }
0xb7: {  	s30 =	sld [smem:$0x0];
	_ =	sdelay $0x2  }
0xb8: {  	s31 =	sshll.u32 s1, $0xD;
	s1 =	sshrl.u32 s1, $0x2  }
0xb9: {  	s3 =	sand.u32 $0x4000, s31;
	s1 =	sadd.s32 s1, s30  }
0xba: {  	s0 =	sor.u32 s3, s0;
	s1 =	sshll.u32 s1, $0x11  }
0xbb: {  	s0 =	sor.u32 s1, s0  }
0xbc: {  	s0 =	sadd.s32 $0x8F2B, s0  }
0xbd: {  	[sflag:s0] =	ssyncadd.remote.s32 $0x1  }
0xbe: {  	_ =	sfence.sel $0xFFFF  }
0xbf: {  	[dreg:$0x0] =	wrdreg $0xFFFFFFFF;
	(pc) =	sbr.abs _section_cstart, $3  }
0xc0: {  	[dreg:$0x1] =	wrdreg $0xFFFFFFFF  }
0xc1: {  	_ =	task.clear_ibuf [dreg:s6], $0x2FFFF;
	_ =	strace $0x9FFFFFFF  }
0xc2: {  	(tm) =	ssettm $0x7FFFFFFF  }
0xc3: {  	_ =	shalt  }
tec
execute0_lowered:
.L_overlay_start_1:
0x0: {  	(tag) =	ssettag $0x1  }
0x1: {  	s8 =	rddreg [dreg:$0x0]  }
0x2: {  	s1 =	rddreg [dreg:$0x1]  }
0x3: {  	s2 =	srdreg.scid;
	s0 =	rddreg [dreg:$0x2]  }
0x4: {  	s3 =	simm.s32 $0x0;
	s14 =	simm.s32 $0x6780;
	s15 =	simm.s32 $0x1  }
0x5: {  	s16 =	simm.s32 $0x0;
	s6 =	sand.u32 $0x1, s2;
	[smem:$0x7FF] =	sst s3  }
0x6: {  	s2 =	stileid.u32;
	s4 =	sshll.u32 s6, $0x4;
	_ =	strace $0x8000004D  }
0x7: {  	s9 =	ssub.s32 $0x2, s6;
	s10 =	smul.u32 $0x50000, s2;
	p0 =	seq.s32 s6, $0x1  }
0x8: {  	s31 =	sshll.u32 s2, $0x6;
	s13 =	smul.u32 $0x2800, s2;
	s5 =	sor.u32 s2, s4  }
0x9: {  	s4 =	sadd.s32 $0x20200, s8;
	s12 =	sshrl.u32 s9, $0x1;
	s6 =	sor.u32 $0x1C02, s31  }
0xa: {  	s7 =	smul.u32 $0x4E2, s5;
	s5 =	sshll.u32 s5, $0xB;
	s9 =	ssub.s32 s9, s12  }
0xb: {  	s10 =	sshrl.u32 s10, $0x2;
	s12 =	simm.s32 $0x2;
	s11 =	sadd.s32 s5, s8  }
0xc: {  	s5 =	sadd.s32 $0x48200, s8;
	s30 =	sadd.s32 s10, s1;
	s10 =	simm.s32 $0x72A00  }
0xd: {  	s9 =	smax.u32 s9, $0x1;
	s7 =	sadd.s32 s7, s8;
	s10 =	simm.s32 @!p0 $0x4AA00  }
0xe: {  	s7 =	sadd.s32 $0x6400, s7;
	s10 =	sadd.s32 s10, s8;
	s8 =	sadd.s32 $0x10200, s11  }
0xf: {  	s11 =	sshrl.u32 s30, $0x3;
	s10 =	sadd.s32 s10, s13;
	s13 =	simm.s32 $0x50  }
.LBB2_1:
0x10: {  	[spmem:s11], [sflag:s6] =	dma.local [hbm:s5], $0x2800  }
0x11: {  	_ =	swait.ge [sflag:s12], $0x2800  }
0x12: {  	[sflag:s12] =	ssyncset.done $0x0  }
0x13: {  	[sflag:s12] =	ssyncadd.s32 $0xFFFFD800  }
0x14: {  	[tilespmem:s3], [sflag:$0x2] =	stream.linear.gather [hbm4b:s7+s3], $0x2710, $0x38;
	[tilespmem:$0x1CF80] =	vst v63  }
0x15: {  	_ =	swait.ge [sflag:s12], $0x2710  }
0x16: {  	[sflag:s12] =	ssyncset.done $0x0  }
0x17: {  	s17 =	simm.s32 $0x2780;
	[sflag:s12] =	ssyncadd.s32 $0xFFFFD8F0  }
0x18: {  	[tilespmem:s17], [sflag:$0x2] =	stream.linear.gather [hbm4b:s8+s3], $0x3E80, $0x38;
	[tilespmem:$0x1CF80] =	vst v63  }
0x19: {  	_ =	swait.ge [sflag:s12], $0x3E80  }
0x1a: {  	[sflag:s12] =	ssyncset.done $0x0  }
0x1b: {  	[sflag:s12] =	ssyncadd.s32 $0xFFFFC180  }
0x1c: {  	s18 =	simm.s32 $0x0;
	[bflag:$0x0] =	sbarrier.arrive $0xFFFF  }
0x1d: {  	[tilespmem:s14], [sflag:$0x1] =	stream.indirect.gather [hbm4b:s4+s13], $0x80, s18, s13, $0xb8;
	[tilespmem:$0x1CF80] =	vst v63  }
0x1e: {  	_ =	swait.ge [sflag:s15], $0x2800  }
0x1f: {  	[sflag:s15] =	ssyncset.done $0x0  }
0x20: {  	[sflag:s15] =	ssyncadd.s32 $0xFFFFD800  }
0x21: {  	[spmem:s1] =	stream.indirect.scatter.add.f32 [tilespmem:s14], [sflag:$0x2], $0x80, s17, s13, $0xb8;
	[tilespmem:$0x1CF80] =	vst v63  }
0x22: {  	s19 =	simm.s32 $0x280;
	_ =	swait.ge [sflag:s12], $0x2800  }
0x23: {  	s18 =	simm.s32 $0x140;
	s17 =	simm.s32 $0x2800;
	[sflag:s12] =	ssyncset.done $0x0  }
.LBB2_2:
0x24: {  	s20 =	sshra.s32 s18, $0x2  }
0x25: {  	[sflag:s12] =	ssyncadd.s32 $0xFFFFD800;
	s18 =	smov.u32 s19;
	s21 =	sadd.s32 $0x140, s19  }
0x26: {  	[tilespmem:s14], [sflag:$0x1] =	stream.indirect.gather [hbm4b:s4+s13], $0x80, s20, s13, $0xb8;
	[tilespmem:$0x1CF80] =	vst v63  }
0x27: {  	p0 =	sne.s32 s19, $0x9B00;
	_ =	swait.ge [sflag:s15], $0x2800  }
.Ltmp0:
0x28: {  	[sflag:s15] =	ssyncset.done $0x0;
	(pc) =	sbr.rel @p0 .LBB2_2-.Ltmp0, $4  }
0x29: {  	[sflag:s15] =	ssyncadd.s32 $0xFFFFD800  }
0x2a: {  	[spmem:s1] =	stream.indirect.scatter.add.f32 [tilespmem:s14], [sflag:$0x2], $0x80, s17, s13, $0xb8;
	[tilespmem:$0x1CF80] =	vst v63  }
0x2b: {  	_ =	swait.ge [sflag:s12], $0x2800  }
0x2c: {  	s19 =	smov.u32 s21;
	s17 =	sadd.s32 $0x80, s17;
	[sflag:s12] =	ssyncset.done $0x0  }
0x2d: {  	s18 =	sshra.s32 s18, $0x2;
	[sflag:s12] =	ssyncadd.s32 $0xFFFFD800  }
0x2e: {  	[tilespmem:s14], [sflag:$0x1] =	stream.indirect.gather [hbm4b:s4+s13], $0x80, s18, s13, $0xb8;
	[tilespmem:$0x1CF80] =	vst v63  }
0x2f: {  	_ =	swait.ge [sflag:s15], $0x2800  }
0x30: {  	[sflag:s15] =	ssyncset.done $0x0  }
0x31: {  	[sflag:s15] =	ssyncadd.s32 $0xFFFFD800  }
0x32: {  	[spmem:s1] =	stream.indirect.scatter.add.f32 [tilespmem:s14], [sflag:$0x2], $0x80, s17, s13, $0xb8;
	[tilespmem:$0x1CF80] =	vst v63  }
0x33: {  	_ =	swait.ge [sflag:s12], $0x2800  }
0x34: {  	s16 =	sadd.s32 $0x1, s16;
	[sflag:s12] =	ssyncset.done $0x0  }
0x35: {  	p0 =	sne.s32 s16, s9;
	[sflag:s12] =	ssyncadd.s32 $0xFFFFD800  }
.Ltmp1:
0x36: {  	[bflag:$0x0] =	sbarrier.arrive $0xFFFF;
	(pc) =	sbr.rel @p0 .LBB2_1-.Ltmp1, $4  }
0x37: {  	[hbm:s10], [sflag:s6] =	dma.local [spmem:s11], $0x2800  }
0x38: {  	_ =	swait.ge [sflag:s12], $0x2800  }
0x39: {  	[sflag:s12] =	ssyncset.done $0x0  }
0x3a: {  	[sflag:s12] =	ssyncadd.s32 $0xFFFFD800  }
0x3b: {  	_ =	sfence.sel $0x180000  }
0x3c: {  	[bflag:$0x0] =	sbarrier.arrive $0xFFFF  }
0x3d: {  	p0 =	sne.s32 s2, $0x0;
	_ =	strace $0x9000004D  }
0x3e: {  	s0 =	sadd.s32 @!p0 $0x100000, s0;
	[bflag:$0x2] =	sbarrier.arrive $0xFFFF  }
0x3f: {  	[sflag:s0] =	ssyncadd.tile.s32 @!p0 $0x1;
	_ =	shalt  }
.Lfunc_end2:
_tile_overlayer_lowered:
.L_overlay_start_2:
0x40: {  	(tag) =	ssettag $0x2  }
0x41: {  	s0 =	rddreg [dreg:$0x0];
	s2 =	stileid.u32  }
0x42: {  	s1 =	rddreg [dreg:$0x1];
	p0 =	sne.s32 s2, $0x0  }
0x43: {  	s3 =	rddreg [dreg:$0x2];
	[bflag:$0x3] =	sbarrier.arrive $0xFFFF;
	s2 =	simm.s32 @!p0 $0x1C02  }
0x44: {  	[timem:s3], [sflag:s2] =	dma.local @!p0 [hbm:s0], s1  }
0x45: {  	s0 =	simm.s32 @!p0 $0x2  }
0x46: {  	_ =	swait.ge @!p0 [sflag:s0], s1  }
0x47: {  	s1 =	ssub.s32 @!p0 $0x0, s1;
	[sflag:s0] =	ssyncset.done @!p0 $0x0  }
0x48: {  	[sflag:s0] =	ssyncadd.s32 @!p0 s1  }
0x49: {  	[bflag:$0x3] =	sbarrier.arrive $0xFFFF  }
0x4a: {  	_ =	shalt  }

// kernel: kernel.20.cloned.1.call-start
scs
__scs_entry_jumppad:
0x0: {  	(pc) =	sbr.rel $0x88, $3  }
0x1: {  	(tag) =	ssettag $0x0;
	lr =	simm.s32 $0x1  }
0x2: {  	[smem:$0x3F8E] =	sst lr;
	_ =	strace $0xD0000000  }
0x3: {  	_ = 	snop  }
0x4: {  	_ = 	snop  }
0x5: {  	_ = 	snop  }
0x6: {  	_ = 	snop  }
0x7: {  	_ = 	snop  }
__scs_overlays_trampoline_lowered:
0x8: {  	[smem:$0x3F9D] =	sst s0  }
0x9: {  	[smem:$0x3F9E] =	sst s1  }
0xa: {  	[smem:$0x3F9F] =	sst s2  }
0xb: {  	[smem:$0x3FA0] =	sst s3  }
0xc: {  	[smem:$0x3FA1] =	sst s4  }
0xd: {  	[smem:$0x3FA2] =	sst s5  }
0xe: {  	[smem:$0x3FA3] =	sst s6  }
0xf: {  	[smem:$0x3FA4] =	sst s7  }
0x10: {  	[smem:$0x3FA5] =	sst s8  }
0x11: {  	[smem:$0x3FA6] =	sst s9;
	s0 =	simm.s32 @!p0 $0x0  }
0x12: {  	s1 =	sld [smem:$0x3F8C];
	s0 =	simm.s32 @p0 $0x1  }
0x13: {  	[smem:$0x3FA7] =	sst s0;
	s0 =	simm.s32 @!p1 $0x0  }
0x14: {  	s2 =	sld [smem:$0x3F8B];
	s0 =	simm.s32 @p1 $0x1  }
0x15: {  	[smem:$0x3FA8] =	sst s0;
	s0 =	simm.s32 @!p2 $0x0  }
0x16: {  	s3 =	sld [smem:$0x3FDB];
	s0 =	simm.s32 @p2 $0x1  }
0x17: {  	s4 =	simm.s32 $0x1BF5;
	[smem:$0x3FAA] =	sst s0  }
0x18: {  	s0 =	sld [smem:$0x3F8D];
	_ =	swait.ge [sflag:s4], $0x0  }
0x19: {  	s7 =	sld [smem:$0x3F8E]  }
0x1a: {  	s8 =	sadd.s32 $0xFFFFE003, lr  }
0x1b: {  	s9 =	sadd.s32 $0xFFFFFEF7, lr;
	s5 =	simm.s32 $0xFFFFFFFF;
	p2 =	slt.u32 s8, $0xFFFFF086  }
0x1c: {  	p1 =	slt.u32 s9, $0xF7A;
	s5 =	simm.s32 @!p2 $0x0  }
0x1d: {  	s5 =	simm.s32 @p1 $0x1;
	p0 =	seq.s32 s7, s2  }
0x1e: {  	s7 =	smul.u32 @!p0 $0xF7A, s2;
	p2 =	seq.s32 @!p0 s5, $0x0  }
0x1f: {  	s9 =	smul.u32 $0xF7A, s1;
	s8 =	simm.s32 @!p0 $0x1BF5;
	p2 =	por !p2, p0  }
0x20: {  	[sflag:s8] =	ssyncset.s32 @!p0 $0xFFFFF086;
	s6 =	sadd.s32 @!p0 s3, s7;
	s7 =	simm.s32 @!p0 $0x108  }
0x21: {  	s3 =	sadd.s32 s3, s9;
	s6 =	sadd.s32 @!p0 $0x88, s6;
	s7 =	simm.s32 @p2 $0x1082  }
0x22: {  	[simem:s7], [sflag:s8] =	dma.local @!p0 [hbm:s6], $0xF7A  }
0x23: {  	s9 =	sor.u32 $0xD0000000, s2;
	s6 =	simm.s32 $0x108;
	_ =	swait.ge @!p0 [sflag:s8], $0x0  }
0x24: {  	s3 =	sadd.s32 $0x88, s3;
	s6 =	simm.s32 @!p1 $0x1082;
	[sflag:s4] =	ssyncset.s32 $0xFFFFF086  }
0x25: {  	[simem:s6], [sflag:s4] =	dma.local [hbm:s3], $0xF7A  }
0x26: {  	[smem:$0x3F8E] =	sst s1;
	(tag) =	ssettag s2;
	_ =	strace s9  }
0x27: {  	s1 =	sld [smem:$0x3F9E]  }
0x28: {  	s2 =	sld [smem:$0x3F9F]  }
0x29: {  	s4 =	sld [smem:$0x3FA1]  }
0x2a: {  	p0 =	seq.s32 s5, $0x0;
	s5 =	sld [smem:$0x3FA2]  }
0x2b: {  	s6 =	sld [smem:$0x3FA3]  }
0x2c: {  	s7 =	sld [smem:$0x3FA4]  }
0x2d: {  	s3 =	simm.s32 $0x108;
	s8 =	sld [smem:$0x3FA5]  }
0x2e: {  	s3 =	simm.s32 @!p0 $0x1082;
	s9 =	sld [smem:$0x3FA6]  }
0x2f: {  	lr =	sadd.s32 s0, s3;
	s0 =	sld [smem:$0x3F9D]  }
0x30: {  	s3 =	sld [smem:$0x3FA0]  }
0x31: {  	[smem:$0x3FA9] =	sst s10  }
0x32: {  	s10 =	sld [smem:$0x3FA7];
	_ =	sdelay $0x3  }
0x33: {  	p0 =	seq.s32 s10, $0x1;
	s10 =	sld [smem:$0x3FA9];
	_ =	sdelay $0x3  }
0x34: {  	[smem:$0x3FA9] =	sst s10  }
0x35: {  	s10 =	sld [smem:$0x3FA8];
	_ =	sdelay $0x3  }
0x36: {  	p1 =	seq.s32 s10, $0x1;
	s10 =	sld [smem:$0x3FA9];
	_ =	sdelay $0x3  }
0x37: {  	[smem:$0x3FA9] =	sst s10  }
0x38: {  	s10 =	sld [smem:$0x3FAA]  }
0x39: {  	_ = 	snop;
	(pc) =	sbr.ind lr, $3  }
0x3a: {  	_ = 	snop  }
0x3b: {  	_ = 	snop  }
0x3c: {  	p2 =	seq.s32 s10, $0x1;
	s10 =	sld [smem:$0x3FA9]  }
0x3d: {  	_ =	shalt  }
0x3e: {  	_ =	shalt  }
0x3f: {  	_ =	shalt  }
0x40: {  	_ =	shalt  }
0x41: {  	_ =	shalt  }
0x42: {  	_ =	shalt  }
0x43: {  	_ =	shalt  }
0x44: {  	_ =	shalt  }
0x45: {  	_ =	shalt  }
0x46: {  	_ =	shalt  }
0x47: {  	_ =	shalt  }
0x48: {  	_ =	shalt  }
0x49: {  	_ =	shalt  }
0x4a: {  	_ =	shalt  }
0x4b: {  	_ =	shalt  }
0x4c: {  	_ =	shalt  }
0x4d: {  	_ =	shalt  }
0x4e: {  	_ =	shalt  }
0x4f: {  	_ =	shalt  }
0x50: {  	_ =	shalt  }
0x51: {  	_ =	shalt  }
0x52: {  	_ =	shalt  }
0x53: {  	_ =	shalt  }
0x54: {  	_ =	shalt  }
0x55: {  	_ =	shalt  }
0x56: {  	_ =	shalt  }
0x57: {  	_ =	shalt  }
0x58: {  	_ =	shalt  }
0x59: {  	_ =	shalt  }
0x5a: {  	_ =	shalt  }
0x5b: {  	_ =	shalt  }
0x5c: {  	_ =	shalt  }
0x5d: {  	_ =	shalt  }
0x5e: {  	_ =	shalt  }
0x5f: {  	_ =	shalt  }
0x60: {  	_ =	shalt  }
0x61: {  	_ =	shalt  }
0x62: {  	_ =	shalt  }
0x63: {  	_ =	shalt  }
0x64: {  	_ =	shalt  }
0x65: {  	_ =	shalt  }
0x66: {  	_ =	shalt  }
0x67: {  	_ =	shalt  }
0x68: {  	_ =	shalt  }
0x69: {  	_ =	shalt  }
0x6a: {  	_ =	shalt  }
0x6b: {  	_ =	shalt  }
0x6c: {  	_ =	shalt  }
0x6d: {  	_ =	shalt  }
0x6e: {  	_ =	shalt  }
0x6f: {  	_ =	shalt  }
0x70: {  	_ =	shalt  }
0x71: {  	_ =	shalt  }
0x72: {  	_ =	shalt  }
0x73: {  	_ =	shalt  }
0x74: {  	_ =	shalt  }
0x75: {  	_ =	shalt  }
0x76: {  	_ =	shalt  }
0x77: {  	_ =	shalt  }
0x78: {  	_ =	shalt  }
0x79: {  	_ =	shalt  }
0x7a: {  	_ =	shalt  }
0x7b: {  	_ =	shalt  }
0x7c: {  	_ =	shalt  }
0x7d: {  	_ =	shalt  }
0x7e: {  	_ =	shalt  }
0x7f: {  	_ =	shalt  }
0x80: {  	_ =	shalt  }
0x81: {  	_ =	shalt  }
0x82: {  	_ =	shalt  }
0x83: {  	_ =	shalt  }
0x84: {  	_ =	shalt  }
0x85: {  	_ =	shalt  }
0x86: {  	_ =	shalt  }
0x87: {  	_ =	shalt  }
.Lfunc_end0:
.L_simem_size_0:
called_computation.3_lowered:
.L_overlay_start_0:
0x88: {  	s2 =	sld [smem:$0x3FD9]  }
0x89: {  	s3 =	sld [smem:$0x3FFE];
	_ =	sdelay $0x1  }
0x8a: {  	s1 =	srdreg.scid  }
0x8b: {  	s0 =	sand.u32 $0x1, s1  }
0x8c: {  	s16 =	sshll.u32 s0, $0xA;
	s2 =	sadd.s32 s3, s2  }
0x8d: {  	s2 =	sadd.s32 s2, s16  }
0x8e: {  	[smem:$0x3FB5] =	sst s2  }
0x8f: {  	_ = 	snop  }
0x90: {  	(tm) =	ssettm $0x1  }
0x91: {  	s17 =	sld [smem:$0x3FFB];
	_ =	sdelay $0x3  }
0x92: {  	_ =	strace s17  }
0x93: {  	s2 =	sld [smem:$0x3FFC];
	_ =	sdelay $0x3  }
0x94: {  	_ =	strace s2  }
0x95: {  	s2 =	sld [smem:$0x3FFD];
	_ =	sdelay $0x3  }
0x96: {  	_ =	strace s2  }
0x97: {  	_ =	strace $0x8FFFFFFF  }
0x98: {  	s18 =	sld [smem:$0x3FDB];
	_ =	sdelay $0x1  }
0x99: {  	s19 =	simm.s32 $_scs_section_size  }
0x9a: {  	s4 =	simm.s32 $_size__tile_overlayer_lowered;
	s5 =	simm.s32 $_tile_overlayer_lowered  }
0x9b: {  	s22 =	simm.s32 $0x1BFF;
	s21 =	sshll.u32 s5, $0x1;
	s2 =	sadd.s32 s19, s18  }
0x9c: {  	s6 =	simm.s32 $0x0;
	s20 =	sshll.u32 s4, $0x1;
	s4 =	sadd.s32 s21, s2  }
0x9d: {  	[timem:s6], [sflag:s22] =	dma.local [hbm:s4], s20  }
0x9e: {  	_ =	swait.ge [sflag:s22], s20  }
0x9f: {  	s3 =	ssub.s32 $0x0, s20;
	[sflag:s22] =	ssyncset.done $0x0  }
0xa0: {  	[sflag:s22] =	ssyncadd.s32 s3;
	_ =	sdelay $0x1  }
0xa1: {  	s23 =	simm.s32 $0x1B8B  }
0xa2: {  	_ =	swait.ge [sflag:s23], $0x1  }
0xa3: {  	[sflag:s23] =	ssyncset.done $0x0  }
0xa4: {  	s25 =	simm.s32 $0x1B8E;
	s24 =	sld [smem:$0x3FFE];
	[sflag:s23] =	ssyncadd.s32 $0xFFFFFFFF  }
0xa5: {  	s26 =	simm.s32 $execute0_lowered;
	[smem:$0x3FD2] =	sst s25  }
0xa6: {  	s4 =	sshll.u32 s26, $0x1;
	_ =	strace $0x8000004F;
	[dreg:$0x1] =	wrdreg $0xFFFFFFFF  }
0xa7: {  	s28 =	simm.s32 $_size_execute0_lowered;
	s2 =	sadd.s32 s2, s4;
	[dreg:$0x0] =	wrdreg $0x0  }
0xa8: {  	s4 =	sshll.u32 s28, $0x1;
	[dreg:$0x2] =	wrdreg s2  }
0xa9: {  	[dreg:$0x3] =	wrdreg s4  }
0xaa: {  	[dreg:$0x4] =	wrdreg $0xC0  }
0xab: {  	_ =	task [dreg:s6], $0x5FFFF  }
0xac: {  	[dreg:$0x1] =	wrdreg $0xFFFFFFFF  }
0xad: {  	[dreg:$0x0] =	wrdreg $0x60  }
0xae: {  	[dreg:$0x2] =	wrdreg s24  }
0xaf: {  	[dreg:$0x3] =	wrdreg $0x52000  }
0xb0: {  	[dreg:$0x4] =	wrdreg $0x56800  }
0xb1: {  	[dreg:$0x5] =	wrdreg $0x9  }
0xb2: {  	_ =	task.clear_ibuf [dreg:s6], $0x6FFFF;
	_ =	strace $0x9000004F  }
0xb3: {  	s29 =	simm.s32 $0x9;
	_ =	strace $0x80000051  }
0xb4: {  	_ =	swait.ge [sflag:s29], $0x1  }
0xb5: {  	[sflag:s29] =	ssyncadd.s32 $0xFFFFFFFF  }
0xb6: {  	_ =	strace $0x90000051  }
0xb7: {  	_ =	sfence  }
0xb8: {  	s30 =	sld [smem:$0x0];
	_ =	sdelay $0x2  }
0xb9: {  	s31 =	sshll.u32 s1, $0xD;
	s1 =	sshrl.u32 s1, $0x2  }
0xba: {  	s3 =	sand.u32 $0x4000, s31;
	s1 =	sadd.s32 s1, s30  }
0xbb: {  	s0 =	sor.u32 s3, s0;
	s1 =	sshll.u32 s1, $0x11  }
0xbc: {  	s0 =	sor.u32 s1, s0  }
0xbd: {  	s0 =	sadd.s32 $0x8F2B, s0  }
0xbe: {  	[sflag:s0] =	ssyncadd.remote.s32 $0x1  }
0xbf: {  	_ =	sfence.sel $0xFFFF  }
0xc0: {  	[dreg:$0x0] =	wrdreg $0xFFFFFFFF;
	(pc) =	sbr.abs _section_cstart, $3  }
0xc1: {  	[dreg:$0x1] =	wrdreg $0xFFFFFFFF  }
0xc2: {  	_ =	task.clear_ibuf [dreg:s6], $0x2FFFF;
	_ =	strace $0x9FFFFFFF  }
0xc3: {  	(tm) =	ssettm $0x7FFFFFFF  }
tec
execute0_lowered:
.L_overlay_start_1:
0x0: {  	(tag) =	ssettag $0x1  }
0x1: {  	s6 =	rddreg [dreg:$0x0]  }
0x2: {  	s0 =	srdreg.scid;
	s2 =	rddreg [dreg:$0x1]  }
0x3: {  	s1 =	rddreg [dreg:$0x2];
	s8 =	stileid.u32;
	s5 =	simm.s32 $0x0  }
0x4: {  	s18 =	simm.s32 $0x80;
	s7 =	sand.u32 $0x1, s0;
	s0 =	rddreg [dreg:$0x3]  }
0x5: {  	s15 =	simm.s32 $0x100;
	p1 =	por $0x0, $0x0;
	[smem:$0x7FF] =	sst s5  }
0x6: {  	s20 =	sadd.s32 $0x2E400, s6;
	s17 =	sadd.s32 $0x2EE00, s6;
	s12 =	sadd.s32 $0x2FE00, s6  }
0x7: {  	s3 =	sshll.u32 s7, $0x4;
	_ =	strace $0x80000050;
	s11 =	ssub.s32 $0x2, s7  }
0x8: {  	p0 =	seq.s32 s7, $0x1;
	s3 =	sor.u32 s8, s3;
	s13 =	sshrl.u32 s11, $0x1  }
0x9: {  	s4 =	smul.u32 $0x1400, s3;
	s3 =	sshll.u32 s3, $0x6;
	s11 =	ssub.s32 s11, s13  }
0xa: {  	s13 =	simm.s32 $0x180;
	s10 =	sadd.s32 s3, s6;
	s11 =	smax.u32 s11, $0x1  }
0xb: {  	s3 =	sadd.s32 $0x30800, s6;
	s9 =	sadd.s32 s4, s6;
	s24 =	sadd.s32 $0xFFFFFFFF, s11  }
0xc: {  	s4 =	sadd.s32 $0x2F400, s6;
	s6 =	sadd.s32 $0x31200, s6;
	p2 =	sne.s32 s24, $0x0  }
.Ltmp0:
0xd: {  	s21 =	sadd.s32 $0x9AA00, s10;
	s11 =	simm.s32 $0x50;
	(pc) =	sbr.rel @!p2 .LBB2_3-.Ltmp0, $4  }
0xe: {  	s19 =	sadd.s32 $0x6400, s9;
	s16 =	sadd.s32 $0x6900, s9;
	s14 =	sadd.s32 $0x6E00, s9  }
0xf: {  	s10 =	sadd.s32 $0x7300, s9;
	s4 =	smov.u32 @p0 s12;
	s3 =	smov.u32 @p0 s6  }
0x10: {  	p0 =	sne.s32 s8, $0x0;
	s8 =	simm.s32 $0x1;
	s9 =	simm.s32 $0x2A00  }
0x11: {  	s12 =	simm.s32 $0x200;
	s7 =	sshrl.u32 @!p0 s2, $0x3;
	s6 =	sshrl.u32 @!p0 s1, $0x3  }
0x12: {  	s23 =	simm.s32 @!p0 $0x1C01;
	s22 =	simm.s32 @!p0 $0x1  }
0x13: {  	[spmem:s7], [sflag:s23] =	dma.local @!p0 [hbm:s20], $0x900  }
0x14: {  	_ =	swait.ge @!p0 [sflag:s22], $0x900  }
0x15: {  	[sflag:s22] =	ssyncset.done @!p0 $0x0  }
0x16: {  	[sflag:s22] =	ssyncadd.s32 @!p0 $0xFFFFF700  }
0x17: {  	[spmem:s6], [sflag:s23] =	dma.local @!p0 [hbm:s20], $0x900  }
0x18: {  	_ =	swait.ge @!p0 [sflag:s22], $0x900  }
0x19: {  	[sflag:s22] =	ssyncset.done @!p0 $0x0  }
0x1a: {  	[sflag:s22] =	ssyncadd.s32 @!p0 $0xFFFFF700  }
0x1b: {  	[tilespmem:s5], [sflag:$0x1] =	stream.linear.gather [hbm4b:s21+s5], $0x200, $0x38;
	[tilespmem:$0x5B00] =	vst v63  }
0x1c: {  	_ =	swait.ge [sflag:s8], $0x200  }
0x1d: {  	[sflag:s8] =	ssyncset.done $0x0  }
0x1e: {  	[sflag:s8] =	ssyncadd.s32 $0xFFFFFE00  }
0x1f: {  	[tilespmem:s9], [sflag:$0x1] =	stream.linear.gather [hbm4b:s17+s5], $0x2800, $0x38;
	[tilespmem:$0x5B00] =	vst v63  }
0x20: {  	_ =	swait.ge [sflag:s8], $0x2800  }
0x21: {  	[sflag:s8] =	ssyncset.done $0x0  }
0x22: {  	[sflag:s8] =	ssyncadd.s32 $0xFFFFD800  }
0x23: {  	[bflag:$0x0] =	sbarrier.arrive $0xFFFF  }
0x24: {  	[tilespmem:s12], [sflag:$0x1] =	stream.linear.gather [hbm4b:s19+s5], $0x2800, $0x38;
	[tilespmem:$0x5B00] =	vst v63  }
0x25: {  	_ =	swait.ge [sflag:s8], $0x2800  }
0x26: {  	[sflag:s8] =	ssyncset.done $0x0  }
0x27: {  	[sflag:s8] =	ssyncadd.s32 $0xFFFFD800  }
0x28: {  	[spmem:s2] =	stream.indirect.scatter.add.f32 [tilespmem:s12], [sflag:$0x1], $0x80, s5, s11, $0xb8;
	[tilespmem:$0x5B00] =	vst v63  }
0x29: {  	_ =	swait.ge [sflag:s8], $0x2800  }
0x2a: {  	[sflag:s8] =	ssyncset.done $0x0  }
0x2b: {  	[sflag:s8] =	ssyncadd.s32 $0xFFFFD800  }
0x2c: {  	[spmem:s1] =	stream.indirect.scatter.add.f32 [tilespmem:s9], [sflag:$0x1], $0x80, s5, s11, $0xb8;
	[tilespmem:$0x5B00] =	vst v63  }
0x2d: {  	_ =	swait.ge [sflag:s8], $0x2800  }
0x2e: {  	[sflag:s8] =	ssyncset.done $0x0  }
0x2f: {  	[sflag:s8] =	ssyncadd.s32 $0xFFFFD800  }
0x30: {  	[tilespmem:s12], [sflag:$0x1] =	stream.linear.gather [hbm4b:s16+s5], $0x2800, $0x38;
	[tilespmem:$0x5B00] =	vst v63  }
0x31: {  	_ =	swait.ge [sflag:s8], $0x2800  }
0x32: {  	[sflag:s8] =	ssyncset.done $0x0  }
0x33: {  	[sflag:s8] =	ssyncadd.s32 $0xFFFFD800  }
0x34: {  	[spmem:s2] =	stream.indirect.scatter.add.f32 [tilespmem:s12], [sflag:$0x1], $0x80, s18, s11, $0xb8;
	[tilespmem:$0x5B00] =	vst v63  }
0x35: {  	_ =	swait.ge [sflag:s8], $0x2800  }
0x36: {  	[sflag:s8] =	ssyncset.done $0x0  }
0x37: {  	[sflag:s8] =	ssyncadd.s32 $0xFFFFD800  }
0x38: {  	[spmem:s1] =	stream.indirect.scatter.add.f32 [tilespmem:s9], [sflag:$0x1], $0x80, s18, s11, $0xb8;
	[tilespmem:$0x5B00] =	vst v63  }
0x39: {  	_ =	swait.ge [sflag:s8], $0x2800  }
0x3a: {  	[sflag:s8] =	ssyncset.done $0x0  }
0x3b: {  	[sflag:s8] =	ssyncadd.s32 $0xFFFFD800  }
0x3c: {  	[tilespmem:s12], [sflag:$0x1] =	stream.linear.gather [hbm4b:s14+s5], $0x2800, $0x38;
	[tilespmem:$0x5B00] =	vst v63  }
0x3d: {  	_ =	swait.ge [sflag:s8], $0x2800  }
0x3e: {  	[sflag:s8] =	ssyncset.done $0x0  }
0x3f: {  	[sflag:s8] =	ssyncadd.s32 $0xFFFFD800  }
0x40: {  	[spmem:s2] =	stream.indirect.scatter.add.f32 [tilespmem:s12], [sflag:$0x1], $0x80, s15, s11, $0xb8;
	[tilespmem:$0x5B00] =	vst v63  }
0x41: {  	_ =	swait.ge [sflag:s8], $0x2800  }
0x42: {  	[sflag:s8] =	ssyncset.done $0x0  }
0x43: {  	[sflag:s8] =	ssyncadd.s32 $0xFFFFD800  }
0x44: {  	[spmem:s1] =	stream.indirect.scatter.add.f32 [tilespmem:s9], [sflag:$0x1], $0x80, s15, s11, $0xb8;
	[tilespmem:$0x5B00] =	vst v63  }
0x45: {  	_ =	swait.ge [sflag:s8], $0x2800  }
0x46: {  	[sflag:s8] =	ssyncset.done $0x0  }
0x47: {  	[sflag:s8] =	ssyncadd.s32 $0xFFFFD800  }
0x48: {  	[tilespmem:s12], [sflag:$0x1] =	stream.linear.gather [hbm4b:s10+s5], $0x2800, $0x38;
	[tilespmem:$0x5B00] =	vst v63  }
0x49: {  	_ =	swait.ge [sflag:s8], $0x2800  }
0x4a: {  	[sflag:s8] =	ssyncset.done $0x0  }
0x4b: {  	[sflag:s8] =	ssyncadd.s32 $0xFFFFD800  }
0x4c: {  	[spmem:s2] =	stream.indirect.scatter.add.f32 [tilespmem:s12], [sflag:$0x1], $0x80, s13, s11, $0xb8;
	[tilespmem:$0x5B00] =	vst v63  }
0x4d: {  	_ =	swait.ge [sflag:s8], $0x2800  }
0x4e: {  	[sflag:s8] =	ssyncset.done $0x0  }
0x4f: {  	[sflag:s8] =	ssyncadd.s32 $0xFFFFD800  }
0x50: {  	[spmem:s1] =	stream.indirect.scatter.add.f32 [tilespmem:s9], [sflag:$0x1], $0x80, s13, s11, $0xb8;
	[tilespmem:$0x5B00] =	vst v63  }
0x51: {  	_ =	swait.ge [sflag:s8], $0x2800  }
0x52: {  	[sflag:s8] =	ssyncset.done $0x0  }
0x53: {  	[sflag:s8] =	ssyncadd.s32 $0xFFFFD800  }
0x54: {  	s24 =	sadd.s32 $0xFFFFFFFF, s24;
	[bflag:$0x0] =	sbarrier.arrive $0xFFFF  }
0x55: {  	[hbm:s4], [sflag:s23] =	dma.local @!p0 [spmem:s7], $0x900  }
0x56: {  	p2 =	sne.s32 s24, $0x0;
	_ =	swait.ge @!p0 [sflag:s22], $0x900  }
.Ltmp1:
0x57: {  	[sflag:s22] =	ssyncset.done @!p0 $0x0;
	(pc) =	sbr.rel @!p2 .LBB2_3-.Ltmp1, $4  }
0x58: {  	[sflag:s22] =	ssyncadd.s32 @!p0 $0xFFFFF700  }
0x59: {  	[hbm:s3], [sflag:s23] =	dma.local @!p0 [spmem:s6], $0x900  }
0x5a: {  	_ =	swait.ge @!p0 [sflag:s22], $0x900  }
0x5b: {  	p1 =	por $0x1, $0x1;
	[sflag:s22] =	ssyncset.done @!p0 $0x0  }
.LBB2_2:
0x5c: {  	[sflag:s22] =	ssyncadd.s32 @!p0 $0xFFFFF700  }
0x5d: {  	[spmem:s7], [sflag:s23] =	dma.local @!p0 [hbm:s20], $0x900  }
0x5e: {  	s24 =	sadd.s32 $0xFFFFFFFF, s24;
	_ =	swait.ge @!p0 [sflag:s22], $0x900  }
0x5f: {  	p2 =	sne.s32 s24, $0x0;
	[sflag:s22] =	ssyncset.done @!p0 $0x0  }
0x60: {  	[sflag:s22] =	ssyncadd.s32 @!p0 $0xFFFFF700  }
0x61: {  	[spmem:s6], [sflag:s23] =	dma.local @!p0 [hbm:s20], $0x900  }
0x62: {  	_ =	swait.ge @!p0 [sflag:s22], $0x900  }
0x63: {  	[sflag:s22] =	ssyncset.done @!p0 $0x0  }
0x64: {  	[sflag:s22] =	ssyncadd.s32 @!p0 $0xFFFFF700  }
0x65: {  	[tilespmem:s5], [sflag:$0x1] =	stream.linear.gather [hbm4b:s21+s5], $0x200, $0x38;
	[tilespmem:$0x5B00] =	vst v63  }
0x66: {  	_ =	swait.ge [sflag:s8], $0x200  }
0x67: {  	[sflag:s8] =	ssyncset.done $0x0  }
0x68: {  	[sflag:s8] =	ssyncadd.s32 $0xFFFFFE00  }
0x69: {  	[tilespmem:s9], [sflag:$0x1] =	stream.linear.gather [hbm4b:s17+s5], $0x2800, $0x38;
	[tilespmem:$0x5B00] =	vst v63  }
0x6a: {  	_ =	swait.ge [sflag:s8], $0x2800  }
0x6b: {  	[sflag:s8] =	ssyncset.done $0x0  }
0x6c: {  	[sflag:s8] =	ssyncadd.s32 $0xFFFFD800  }
0x6d: {  	[bflag:$0x0] =	sbarrier.arrive $0xFFFF  }
0x6e: {  	[tilespmem:s12], [sflag:$0x1] =	stream.linear.gather [hbm4b:s19+s5], $0x2800, $0x38;
	[tilespmem:$0x5B00] =	vst v63  }
0x6f: {  	_ =	swait.ge [sflag:s8], $0x2800  }
0x70: {  	[sflag:s8] =	ssyncset.done $0x0  }
0x71: {  	[sflag:s8] =	ssyncadd.s32 $0xFFFFD800  }
0x72: {  	[spmem:s2] =	stream.indirect.scatter.add.f32 [tilespmem:s12], [sflag:$0x1], $0x80, s5, s11, $0xb8;
	[tilespmem:$0x5B00] =	vst v63  }
0x73: {  	_ =	swait.ge [sflag:s8], $0x2800  }
0x74: {  	[sflag:s8] =	ssyncset.done $0x0  }
0x75: {  	[sflag:s8] =	ssyncadd.s32 $0xFFFFD800  }
0x76: {  	[spmem:s1] =	stream.indirect.scatter.add.f32 [tilespmem:s9], [sflag:$0x1], $0x80, s5, s11, $0xb8;
	[tilespmem:$0x5B00] =	vst v63  }
0x77: {  	_ =	swait.ge [sflag:s8], $0x2800  }
0x78: {  	[sflag:s8] =	ssyncset.done $0x0  }
0x79: {  	[sflag:s8] =	ssyncadd.s32 $0xFFFFD800  }
0x7a: {  	[tilespmem:s12], [sflag:$0x1] =	stream.linear.gather [hbm4b:s16+s5], $0x2800, $0x38;
	[tilespmem:$0x5B00] =	vst v63  }
0x7b: {  	_ =	swait.ge [sflag:s8], $0x2800  }
0x7c: {  	[sflag:s8] =	ssyncset.done $0x0  }
0x7d: {  	[sflag:s8] =	ssyncadd.s32 $0xFFFFD800  }
0x7e: {  	[spmem:s2] =	stream.indirect.scatter.add.f32 [tilespmem:s12], [sflag:$0x1], $0x80, s18, s11, $0xb8;
	[tilespmem:$0x5B00] =	vst v63  }
0x7f: {  	_ =	swait.ge [sflag:s8], $0x2800  }
0x80: {  	[sflag:s8] =	ssyncset.done $0x0  }
0x81: {  	[sflag:s8] =	ssyncadd.s32 $0xFFFFD800  }
0x82: {  	[spmem:s1] =	stream.indirect.scatter.add.f32 [tilespmem:s9], [sflag:$0x1], $0x80, s18, s11, $0xb8;
	[tilespmem:$0x5B00] =	vst v63  }
0x83: {  	_ =	swait.ge [sflag:s8], $0x2800  }
0x84: {  	[sflag:s8] =	ssyncset.done $0x0  }
0x85: {  	[sflag:s8] =	ssyncadd.s32 $0xFFFFD800  }
0x86: {  	[tilespmem:s12], [sflag:$0x1] =	stream.linear.gather [hbm4b:s14+s5], $0x2800, $0x38;
	[tilespmem:$0x5B00] =	vst v63  }
0x87: {  	_ =	swait.ge [sflag:s8], $0x2800  }
0x88: {  	[sflag:s8] =	ssyncset.done $0x0  }
0x89: {  	[sflag:s8] =	ssyncadd.s32 $0xFFFFD800  }
0x8a: {  	[spmem:s2] =	stream.indirect.scatter.add.f32 [tilespmem:s12], [sflag:$0x1], $0x80, s15, s11, $0xb8;
	[tilespmem:$0x5B00] =	vst v63  }
0x8b: {  	_ =	swait.ge [sflag:s8], $0x2800  }
0x8c: {  	[sflag:s8] =	ssyncset.done $0x0  }
0x8d: {  	[sflag:s8] =	ssyncadd.s32 $0xFFFFD800  }
0x8e: {  	[spmem:s1] =	stream.indirect.scatter.add.f32 [tilespmem:s9], [sflag:$0x1], $0x80, s15, s11, $0xb8;
	[tilespmem:$0x5B00] =	vst v63  }
0x8f: {  	_ =	swait.ge [sflag:s8], $0x2800  }
0x90: {  	[sflag:s8] =	ssyncset.done $0x0  }
0x91: {  	[sflag:s8] =	ssyncadd.s32 $0xFFFFD800  }
0x92: {  	[tilespmem:s12], [sflag:$0x1] =	stream.linear.gather [hbm4b:s10+s5], $0x2800, $0x38;
	[tilespmem:$0x5B00] =	vst v63  }
0x93: {  	_ =	swait.ge [sflag:s8], $0x2800  }
0x94: {  	[sflag:s8] =	ssyncset.done $0x0  }
0x95: {  	[sflag:s8] =	ssyncadd.s32 $0xFFFFD800  }
0x96: {  	[spmem:s2] =	stream.indirect.scatter.add.f32 [tilespmem:s12], [sflag:$0x1], $0x80, s13, s11, $0xb8;
	[tilespmem:$0x5B00] =	vst v63  }
0x97: {  	_ =	swait.ge [sflag:s8], $0x2800  }
0x98: {  	[sflag:s8] =	ssyncset.done $0x0  }
0x99: {  	[sflag:s8] =	ssyncadd.s32 $0xFFFFD800  }
0x9a: {  	[spmem:s1] =	stream.indirect.scatter.add.f32 [tilespmem:s9], [sflag:$0x1], $0x80, s13, s11, $0xb8;
	[tilespmem:$0x5B00] =	vst v63  }
0x9b: {  	_ =	swait.ge [sflag:s8], $0x2800  }
0x9c: {  	[sflag:s8] =	ssyncset.done $0x0  }
0x9d: {  	[sflag:s8] =	ssyncadd.s32 $0xFFFFD800  }
0x9e: {  	[bflag:$0x0] =	sbarrier.arrive $0xFFFF  }
0x9f: {  	[hbm:s4], [sflag:s23] =	dma.local @!p0 [spmem:s7], $0x900  }
0xa0: {  	_ =	swait.ge @!p0 [sflag:s22], $0x900  }
.Ltmp2:
0xa1: {  	[sflag:s22] =	ssyncset.done @!p0 $0x0;
	(pc) =	sbr.rel @p2 .LBB2_2-.Ltmp2, $4  }
0xa2: {  	[sflag:s22] =	ssyncadd.s32 @!p0 $0xFFFFF700  }
0xa3: {  	[hbm:s3], [sflag:s23] =	dma.local @!p0 [spmem:s6], $0x900  }
0xa4: {  	_ =	swait.ge @!p0 [sflag:s22], $0x900  }
0xa5: {  	[sflag:s22] =	ssyncset.done @!p0 $0x0  }
.LBB2_3:
0xa6: {  	p1 =	por p0, !p1  }
0xa7: {  	s24 =	simm.s32 @!p0 $0x1C01;
	s23 =	simm.s32 @!p0 $0x1;
	[sflag:s22] =	ssyncadd.s32 @!p1 $0xFFFFF700  }
0xa8: {  	[spmem:s7], [sflag:s24] =	dma.local @!p0 [hbm:s20], $0x900  }
0xa9: {  	_ =	swait.ge @!p0 [sflag:s23], $0x900  }
0xaa: {  	[sflag:s23] =	ssyncset.done @!p0 $0x0  }
0xab: {  	[sflag:s23] =	ssyncadd.s32 @!p0 $0xFFFFF700  }
0xac: {  	[spmem:s6], [sflag:s24] =	dma.local @!p0 [hbm:s20], $0x900  }
0xad: {  	_ =	swait.ge @!p0 [sflag:s23], $0x900  }
0xae: {  	[sflag:s23] =	ssyncset.done @!p0 $0x0  }
0xaf: {  	[sflag:s23] =	ssyncadd.s32 @!p0 $0xFFFFF700  }
0xb0: {  	[tilespmem:s5], [sflag:$0x1] =	stream.linear.gather [hbm4b:s21+s5], $0x200, $0x38;
	[tilespmem:$0x5B00] =	vst v63  }
0xb1: {  	_ =	swait.ge [sflag:s8], $0x200  }
0xb2: {  	[sflag:s8] =	ssyncset.done $0x0  }
0xb3: {  	[sflag:s8] =	ssyncadd.s32 $0xFFFFFE00  }
0xb4: {  	[tilespmem:s9], [sflag:$0x1] =	stream.linear.gather [hbm4b:s17+s5], $0x2800, $0x38;
	[tilespmem:$0x5B00] =	vst v63  }
0xb5: {  	_ =	swait.ge [sflag:s8], $0x2800  }
0xb6: {  	[sflag:s8] =	ssyncset.done $0x0  }
0xb7: {  	[sflag:s8] =	ssyncadd.s32 $0xFFFFD800  }
0xb8: {  	[bflag:$0x0] =	sbarrier.arrive $0xFFFF  }
0xb9: {  	[tilespmem:s12], [sflag:$0x1] =	stream.linear.gather [hbm4b:s19+s5], $0x2800, $0x38;
	[tilespmem:$0x5B00] =	vst v63  }
0xba: {  	_ =	swait.ge [sflag:s8], $0x2800  }
0xbb: {  	[sflag:s8] =	ssyncset.done $0x0  }
0xbc: {  	[sflag:s8] =	ssyncadd.s32 $0xFFFFD800  }
0xbd: {  	[spmem:s2] =	stream.indirect.scatter.add.f32 [tilespmem:s12], [sflag:$0x1], $0x80, s5, s11, $0xb8;
	[tilespmem:$0x5B00] =	vst v63  }
0xbe: {  	_ =	swait.ge [sflag:s8], $0x2800  }
0xbf: {  	[sflag:s8] =	ssyncset.done $0x0  }
0xc0: {  	[sflag:s8] =	ssyncadd.s32 $0xFFFFD800  }
0xc1: {  	[spmem:s1] =	stream.indirect.scatter.add.f32 [tilespmem:s9], [sflag:$0x1], $0x80, s5, s11, $0xb8;
	[tilespmem:$0x5B00] =	vst v63  }
0xc2: {  	_ =	swait.ge [sflag:s8], $0x2800  }
0xc3: {  	[sflag:s8] =	ssyncset.done $0x0  }
0xc4: {  	[sflag:s8] =	ssyncadd.s32 $0xFFFFD800  }
0xc5: {  	[tilespmem:s12], [sflag:$0x1] =	stream.linear.gather [hbm4b:s16+s5], $0x2800, $0x38;
	[tilespmem:$0x5B00] =	vst v63  }
0xc6: {  	_ =	swait.ge [sflag:s8], $0x2800  }
0xc7: {  	[sflag:s8] =	ssyncset.done $0x0  }
0xc8: {  	[sflag:s8] =	ssyncadd.s32 $0xFFFFD800  }
0xc9: {  	[spmem:s2] =	stream.indirect.scatter.add.f32 [tilespmem:s12], [sflag:$0x1], $0x80, s18, s11, $0xb8;
	[tilespmem:$0x5B00] =	vst v63  }
0xca: {  	_ =	swait.ge [sflag:s8], $0x2800  }
0xcb: {  	[sflag:s8] =	ssyncset.done $0x0  }
0xcc: {  	[sflag:s8] =	ssyncadd.s32 $0xFFFFD800  }
0xcd: {  	[spmem:s1] =	stream.indirect.scatter.add.f32 [tilespmem:s9], [sflag:$0x1], $0x80, s18, s11, $0xb8;
	[tilespmem:$0x5B00] =	vst v63  }
0xce: {  	_ =	swait.ge [sflag:s8], $0x2800  }
0xcf: {  	[sflag:s8] =	ssyncset.done $0x0  }
0xd0: {  	[sflag:s8] =	ssyncadd.s32 $0xFFFFD800  }
0xd1: {  	[tilespmem:s12], [sflag:$0x1] =	stream.linear.gather [hbm4b:s14+s5], $0x2800, $0x38;
	[tilespmem:$0x5B00] =	vst v63  }
0xd2: {  	_ =	swait.ge [sflag:s8], $0x2800  }
0xd3: {  	[sflag:s8] =	ssyncset.done $0x0  }
0xd4: {  	[sflag:s8] =	ssyncadd.s32 $0xFFFFD800  }
0xd5: {  	[spmem:s2] =	stream.indirect.scatter.add.f32 [tilespmem:s12], [sflag:$0x1], $0x80, s15, s11, $0xb8;
	[tilespmem:$0x5B00] =	vst v63  }
0xd6: {  	_ =	swait.ge [sflag:s8], $0x2800  }
0xd7: {  	[sflag:s8] =	ssyncset.done $0x0  }
0xd8: {  	[sflag:s8] =	ssyncadd.s32 $0xFFFFD800  }
0xd9: {  	[spmem:s1] =	stream.indirect.scatter.add.f32 [tilespmem:s9], [sflag:$0x1], $0x80, s15, s11, $0xb8;
	[tilespmem:$0x5B00] =	vst v63  }
0xda: {  	_ =	swait.ge [sflag:s8], $0x2800  }
0xdb: {  	[sflag:s8] =	ssyncset.done $0x0  }
0xdc: {  	[sflag:s8] =	ssyncadd.s32 $0xFFFFD800  }
0xdd: {  	[tilespmem:s12], [sflag:$0x1] =	stream.linear.gather [hbm4b:s10+s5], $0x2800, $0x38;
	[tilespmem:$0x5B00] =	vst v63  }
0xde: {  	_ =	swait.ge [sflag:s8], $0x2800  }
0xdf: {  	[sflag:s8] =	ssyncset.done $0x0  }
0xe0: {  	[sflag:s8] =	ssyncadd.s32 $0xFFFFD800  }
0xe1: {  	[spmem:s2] =	stream.indirect.scatter.add.f32 [tilespmem:s12], [sflag:$0x1], $0x80, s13, s11, $0xb8;
	[tilespmem:$0x5B00] =	vst v63  }
0xe2: {  	_ =	swait.ge [sflag:s8], $0x2800  }
0xe3: {  	[sflag:s8] =	ssyncset.done $0x0  }
0xe4: {  	[sflag:s8] =	ssyncadd.s32 $0xFFFFD800  }
0xe5: {  	[spmem:s1] =	stream.indirect.scatter.add.f32 [tilespmem:s9], [sflag:$0x1], $0x80, s13, s11, $0xb8;
	[tilespmem:$0x5B00] =	vst v63  }
0xe6: {  	_ =	swait.ge [sflag:s8], $0x2800  }
0xe7: {  	[sflag:s8] =	ssyncset.done $0x0  }
0xe8: {  	[sflag:s8] =	ssyncadd.s32 $0xFFFFD800  }
0xe9: {  	[bflag:$0x0] =	sbarrier.arrive $0xFFFF  }
0xea: {  	[hbm:s4], [sflag:s24] =	dma.local @!p0 [spmem:s7], $0x900  }
0xeb: {  	_ =	swait.ge @!p0 [sflag:s23], $0x900  }
0xec: {  	[sflag:s23] =	ssyncset.done @!p0 $0x0  }
0xed: {  	[sflag:s23] =	ssyncadd.s32 @!p0 $0xFFFFF700  }
0xee: {  	[hbm:s3], [sflag:s24] =	dma.local @!p0 [spmem:s6], $0x900  }
0xef: {  	_ =	swait.ge @!p0 [sflag:s23], $0x900  }
0xf0: {  	[sflag:s23] =	ssyncset.done @!p0 $0x0  }
0xf1: {  	[sflag:s23] =	ssyncadd.s32 @!p0 $0xFFFFF700  }
0xf2: {  	_ =	sfence.sel $0x180000  }
0xf3: {  	[bflag:$0x0] =	sbarrier.arrive $0xFFFF  }
0xf4: {  	_ =	strace $0x90000050  }
0xf5: {  	s0 =	sadd.s32 @!p0 $0x100000, s0;
	[bflag:$0x2] =	sbarrier.arrive $0xFFFF  }
0xf6: {  	[sflag:s0] =	ssyncadd.tile.s32 @!p0 $0x1;
	_ =	shalt  }
.Lfunc_end2:
_tile_overlayer_lowered:
.L_overlay_start_2:
0xf7: {  	(tag) =	ssettag $0x2  }
0xf8: {  	s0 =	rddreg [dreg:$0x0];
	s2 =	stileid.u32  }
0xf9: {  	s1 =	rddreg [dreg:$0x1];
	p0 =	sne.s32 s2, $0x0  }
0xfa: {  	s3 =	rddreg [dreg:$0x2];
	[bflag:$0x3] =	sbarrier.arrive $0xFFFF;
	s2 =	simm.s32 @!p0 $0x1C01  }
0xfb: {  	[timem:s3], [sflag:s2] =	dma.local @!p0 [hbm:s0], s1  }
0xfc: {  	s0 =	simm.s32 @!p0 $0x1  }
0xfd: {  	_ =	swait.ge @!p0 [sflag:s0], s1  }
0xfe: {  	s1 =	ssub.s32 @!p0 $0x0, s1;
	[sflag:s0] =	ssyncset.done @!p0 $0x0  }
0xff: {  	[sflag:s0] =	ssyncadd.s32 @!p0 s1  }
0x100: {  	[bflag:$0x3] =	sbarrier.arrive $0xFFFF  }
0x101: {  	_ =	shalt  }

</sc_bundles>
